<compile_context>
chip_gen: v7x
topology: tpu7x:2x2x1
jax: 0.10.2.dev20260603
libtpu: 0.0.44.dev20260713+nightly
codegen_flags: <defaults>
</compile_context>

<pallas_src>
import jax
import jax.numpy as jnp
from jax import lax
from jax.experimental import pallas as pl
from jax.experimental.pallas import tpu as pltpu
from jax.experimental.pallas import tpu_sc as plsc

NC = 2
NS = 16
NW = NC * NS

B = 16384
D = 128
BPW = B // NW

SIZES1 = (128, 128, 128, 128)
SIZES2 = (128, 128, 128, 104, 24)
NBUF = len(SIZES1) + len(SIZES2) - 1
NTOT = len(SIZES1) + len(SIZES2)


def _chunk_offsets(sizes):
    offs, o = [], 0
    for s in sizes:
        offs.append(o)
        o += s
    return offs


OFFS1 = _chunk_offsets(SIZES1)
OFFS2 = _chunk_offsets(SIZES2)


BUFOFF = _chunk_offsets(list(SIZES1) + list(SIZES2[:-1]))


def _body(idx_hbm, w1_hbm, w2_hbm, out1_hbm, out2_hbm,
          idx_v, big, gsem, ssem):
    gsems = [gsem.at[b] for b in range(NBUF)]
    ssems = [ssem.at[b] for b in range(NBUF)]
    wid = lax.axis_index("s") * NC + lax.axis_index("c")
    base = wid * BPW

    i1 = pltpu.async_copy(idx_hbm.at[0, wid], idx_v.at[pl.ds(0, BPW)],
                          ssems[0])
    i2 = pltpu.async_copy(idx_hbm.at[1, wid], idx_v.at[pl.ds(BPW, BPW)],
                          ssems[1])

    chunks = [(o, w1_hbm, out1_hbm, o, s) for o, s in zip(OFFS1, SIZES1)] + \
             [(BPW + o, w2_hbm, out2_hbm, o, s) for o, s in zip(OFFS2, SIZES2)]
    n1 = len(SIZES1)

    def fire(c, b):
        io, w_hbm, _, _, s = chunks[c]
        return pltpu.async_copy(
            w_hbm.at[idx_v.at[pl.ds(io, s)]],
            big.at[pl.ds(BUFOFF[b], s)], gsems[b])

    def store(c, b):
        _, _, out_hbm, o, s = chunks[c]
        return pltpu.async_copy(
            big.at[pl.ds(BUFOFF[b], s)], out_hbm.at[pl.ds(base + o, s)],
            ssems[b])

    AHEAD = 4
    i1.wait()
    gds = [fire(c, c) for c in range(n1)]
    i2.wait()
    sds = []
    for c in range(NBUF):
        if c + AHEAD < NBUF:
            gds.append(fire(c + AHEAD, c + AHEAD))
        gds[c].wait()
        sds.append(store(c, c))
    for c in range(NBUF, NTOT):
        b = c - NBUF
        sds[b].wait()
        fire(c, b).wait()
        sds[b] = store(c, b)
    for d in sds:
        d.wait()


def kernel(word1, word2, W1, W2):
    idx = jnp.stack([word1.astype(jnp.int32), word2.astype(jnp.int32)]
                    ).reshape(2, NW, BPW)

    mesh = plsc.VectorSubcoreMesh(core_axis_name="c", subcore_axis_name="s")
    nrows = sum(SIZES1) + sum(SIZES2[:-1])
    out1, out2 = pl.kernel(
        _body,
        out_type=(
            jax.ShapeDtypeStruct((B, D), jnp.float32),
            jax.ShapeDtypeStruct((B, D), jnp.float32),
        ),
        mesh=mesh,
        scratch_types=(
            [pltpu.VMEM((2 * BPW,), jnp.int32),
             pltpu.VMEM((nrows, D), jnp.float32),
             pltpu.SemaphoreType.DMA((NBUF,)),
             pltpu.SemaphoreType.DMA((NBUF,))]
        ),
    )(idx, W1, W2)
    return (out1, out2)

# --- scband reference (transcript-rebuilt; emitter-appended) ---
"""Pipeline reference for scband-word2-vec-37804302139716 (READ-ONLY COPY).

The authoritative reference and input builder live on the scoring server;
editing this copy changes nothing except your own understanding.
"""

import jax, jax.numpy as jnp
import numpy as np

VOCAB = 100000
EMBED = 128
BATCH = 16384

def setup_inputs(seed: int = 0) -> dict:
    key = jax.random.key(seed)
    k1, k2, k3, k4 = jax.random.split(key, 4)
    word1 = jax.random.randint(k1, (BATCH,), 0, VOCAB, dtype=jnp.int64 if jax.config.jax_enable_x64 else jnp.int32)
    word2 = jax.random.randint(k2, (BATCH,), 0, VOCAB, dtype=jnp.int64 if jax.config.jax_enable_x64 else jnp.int32)
    # torch init: row 0 zeros (padding), remaining rows uniform(-0.1, 0.1)
    W1 = jnp.concatenate([jnp.zeros((1, EMBED), dtype=jnp.float32),
                          jax.random.uniform(k3, (VOCAB - 1, EMBED), minval=-0.1, maxval=0.1, dtype=jnp.float32)], axis=0)
    W2 = jnp.concatenate([jnp.zeros((1, EMBED), dtype=jnp.float32),
                          jax.random.uniform(k4, (VOCAB - 1, EMBED), minval=-0.1, maxval=0.1, dtype=jnp.float32)], axis=0)
    return {"word1": word1, "word2": word2, "W1": W1, "W2": W2}

def reference(word1, word2, W1, W2):
    # forward_word1: embedding lookup into word1_vector table
    emb1 = jnp.take(W1, word1, axis=0)
    # forward_word2: embedding lookup into word2_vector table
    emb2 = jnp.take(W2, word2, axis=0)
    return (emb1, emb2)

if __name__ == "__main__":
    import jax
    _d = setup_inputs()
    print(jax.jit(kernel)(*tuple(_d.values())))

</pallas_src>

<mosaic_0001>
#map = affine_map<(d0, d1) -> (0, 0, 0)>
#map1 = affine_map<(d0, d1) -> (0, 0)>
module attributes {stable_mosaic.version = 14 : i64} {
  func.func @_body(%arg0: i32, %arg1: i32, %arg2: memref<2x32x512xi32, #tpu.memory_space<hbm>>, %arg3: memref<100000x128xf32, #tpu.memory_space<hbm>>, %arg4: memref<100000x128xf32, #tpu.memory_space<hbm>>, %arg5: memref<16384x128xf32, #tpu.memory_space<hbm>>, %arg6: memref<16384x128xf32, #tpu.memory_space<hbm>>, %arg7: memref<1024xi32, #tpu.memory_space<vmem>>, %arg8: memref<1000x128xf32, #tpu.memory_space<vmem>>, %arg9: memref<8x!tpu.dma_semaphore, #tpu.memory_space<semaphore_mem>>, %arg10: memref<8x!tpu.dma_semaphore, #tpu.memory_space<semaphore_mem>>) attributes {dimension_semantics = [#tpu.dimension_semantics<core_parallel>, #tpu.dimension_semantics<subcore_parallel>], iteration_bounds = array<i64: 2, 16>, scalar_prefetch = 0 : i64, scratch_operands = 4 : i64, tpu.core_type = #tpu.core_type<sc_vector_subcore>, window_params = [{transform_indices = #map}, {transform_indices = #map1}, {transform_indices = #map1}, {transform_indices = #map1}, {transform_indices = #map1}]} {
    %mul3A = arith.constant 2 : i32
    %mul3A_0 = arith.muli %arg1, %mul3A : i32
    %add3A = arith.addi %mul3A_0, %arg0 : i32
    %mul3A_1 = arith.constant 512 : i32
    %mul3A_2 = arith.muli %add3A, %mul3A_1 : i32
    %dma_start3A = arith.constant 0 : i32
    %dma_start3A_3 = arith.constant 0 : i32
    %dma_start3A_4 = arith.constant 0 : i32
    %dma_start3A_5 = tpu.memref_slice %arg7[%dma_start3A_4] : memref<1024xi32, #tpu.memory_space<vmem>> -> memref<512xi32, #tpu.memory_space<vmem>>
    %dma_start3A_6 = arith.constant 0 : i32
    %dma_start3A_7 = tpu.memref_slice %arg2[%dma_start3A, %add3A, %dma_start3A_6] : memref<2x32x512xi32, #tpu.memory_space<hbm>> -> memref<1x1x512xi32, #tpu.memory_space<hbm>>
    %dma_start3A_8 = tpu.memref_squeeze %dma_start3A_7 : memref<1x1x512xi32, #tpu.memory_space<hbm>> -> memref<512xi32, #tpu.memory_space<hbm>>
    %dma_start3A_9 = tpu.memref_slice %arg10[%dma_start3A_3] : memref<8x!tpu.dma_semaphore, #tpu.memory_space<semaphore_mem>> -> memref<1x!tpu.dma_semaphore, #tpu.memory_space<semaphore_mem>>
    %dma_start3A_10 = tpu.memref_squeeze %dma_start3A_9 : memref<1x!tpu.dma_semaphore, #tpu.memory_space<semaphore_mem>> -> memref<!tpu.dma_semaphore, #tpu.memory_space<semaphore_mem>>
    %dma_start3A_11 = arith.constant 0 : i32
    %dma_start3A_12 = tpu.memref_slice %arg7[%dma_start3A_11] : memref<1024xi32, #tpu.memory_space<vmem>> -> memref<512xi32, #tpu.memory_space<vmem>>
    %dma_start3A_13 = arith.constant 0 : i32
    %dma_start3A_14 = tpu.memref_slice %arg2[%dma_start3A, %add3A, %dma_start3A_13] : memref<2x32x512xi32, #tpu.memory_space<hbm>> -> memref<1x1x512xi32, #tpu.memory_space<hbm>>
    %dma_start3A_15 = tpu.memref_squeeze %dma_start3A_14 : memref<1x1x512xi32, #tpu.memory_space<hbm>> -> memref<512xi32, #tpu.memory_space<hbm>>
    tpu.enqueue_dma source(%dma_start3A_15 : memref<512xi32, #tpu.memory_space<hbm>>) target(%dma_start3A_12 : memref<512xi32, #tpu.memory_space<vmem>>) target_semaphore(%dma_start3A_10 : memref<!tpu.dma_semaphore, #tpu.memory_space<semaphore_mem>>)
    %dma_start3A_16 = arith.constant 1 : i32
    %dma_start3A_17 = arith.constant 1 : i32
    %dma_start3A_18 = arith.constant 512 : i32
    %dma_start3A_19 = tpu.memref_slice %arg7[%dma_start3A_18] : memref<1024xi32, #tpu.memory_space<vmem>> -> memref<512xi32, #tpu.memory_space<vmem>>
    %dma_start3A_20 = arith.constant 0 : i32
    %dma_start3A_21 = tpu.memref_slice %arg2[%dma_start3A_16, %add3A, %dma_start3A_20] : memref<2x32x512xi32, #tpu.memory_space<hbm>> -> memref<1x1x512xi32, #tpu.memory_space<hbm>>
    %dma_start3A_22 = tpu.memref_squeeze %dma_start3A_21 : memref<1x1x512xi32, #tpu.memory_space<hbm>> -> memref<512xi32, #tpu.memory_space<hbm>>
    %dma_start3A_23 = tpu.memref_slice %arg10[%dma_start3A_17] : memref<8x!tpu.dma_semaphore, #tpu.memory_space<semaphore_mem>> -> memref<1x!tpu.dma_semaphore, #tpu.memory_space<semaphore_mem>>
    %dma_start3A_24 = tpu.memref_squeeze %dma_start3A_23 : memref<1x!tpu.dma_semaphore, #tpu.memory_space<semaphore_mem>> -> memref<!tpu.dma_semaphore, #tpu.memory_space<semaphore_mem>>
    %dma_start3A_25 = arith.constant 512 : i32
    %dma_start3A_26 = tpu.memref_slice %arg7[%dma_start3A_25] : memref<1024xi32, #tpu.memory_space<vmem>> -> memref<512xi32, #tpu.memory_space<vmem>>
    %dma_start3A_27 = arith.constant 0 : i32
    %dma_start3A_28 = tpu.memref_slice %arg2[%dma_start3A_16, %add3A, %dma_start3A_27] : memref<2x32x512xi32, #tpu.memory_space<hbm>> -> memref<1x1x512xi32, #tpu.memory_space<hbm>>
    %dma_start3A_29 = tpu.memref_squeeze %dma_start3A_28 : memref<1x1x512xi32, #tpu.memory_space<hbm>> -> memref<512xi32, #tpu.memory_space<hbm>>
    tpu.enqueue_dma source(%dma_start3A_29 : memref<512xi32, #tpu.memory_space<hbm>>) target(%dma_start3A_26 : memref<512xi32, #tpu.memory_space<vmem>>) target_semaphore(%dma_start3A_24 : memref<!tpu.dma_semaphore, #tpu.memory_space<semaphore_mem>>)
    %dma_wait3A = arith.constant 0 : i32
    %dma_wait3A_30 = arith.constant 0 : i32
    %dma_wait3A_31 = arith.constant 0 : i32
    %dma_wait3A_32 = tpu.memref_slice %arg7[%dma_wait3A_31] : memref<1024xi32, #tpu.memory_space<vmem>> -> memref<512xi32, #tpu.memory_space<vmem>>
    %dma_wait3A_33 = arith.constant 0 : i32
    %dma_wait3A_34 = tpu.memref_slice %arg2[%dma_wait3A, %add3A, %dma_wait3A_33] : memref<2x32x512xi32, #tpu.memory_space<hbm>> -> memref<1x1x512xi32, #tpu.memory_space<hbm>>
    %dma_wait3A_35 = tpu.memref_squeeze %dma_wait3A_34 : memref<1x1x512xi32, #tpu.memory_space<hbm>> -> memref<512xi32, #tpu.memory_space<hbm>>
    %dma_wait3A_36 = tpu.memref_slice %arg10[%dma_wait3A_30] : memref<8x!tpu.dma_semaphore, #tpu.memory_space<semaphore_mem>> -> memref<1x!tpu.dma_semaphore, #tpu.memory_space<semaphore_mem>>
    %dma_wait3A_37 = tpu.memref_squeeze %dma_wait3A_36 : memref<1x!tpu.dma_semaphore, #tpu.memory_space<semaphore_mem>> -> memref<!tpu.dma_semaphore, #tpu.memory_space<semaphore_mem>>
    %dma_wait3A_38 = arith.constant 0 : i32
    %dma_wait3A_39 = tpu.memref_slice %arg7[%dma_wait3A_38] : memref<1024xi32, #tpu.memory_space<vmem>> -> memref<512xi32, #tpu.memory_space<vmem>>
    %dma_wait3A_40 = arith.constant 0 : i32
    %dma_wait3A_41 = tpu.memref_slice %arg2[%dma_wait3A, %add3A, %dma_wait3A_40] : memref<2x32x512xi32, #tpu.memory_space<hbm>> -> memref<1x1x512xi32, #tpu.memory_space<hbm>>
    %dma_wait3A_42 = tpu.memref_squeeze %dma_wait3A_41 : memref<1x1x512xi32, #tpu.memory_space<hbm>> -> memref<512xi32, #tpu.memory_space<hbm>>
    tpu.wait_dma2 semaphore(%dma_wait3A_37 : memref<!tpu.dma_semaphore, #tpu.memory_space<semaphore_mem>>) src(%dma_wait3A_42 : memref<512xi32, #tpu.memory_space<hbm>>) dst(%dma_wait3A_39 : memref<512xi32, #tpu.memory_space<vmem>>)
    %dma_start3A_43 = arith.constant 0 : i32
    %dma_start3A_44 = arith.constant 0 : i32
    %dma_start3A_45 = arith.constant 0 : i32
    %dma_start3A_46 = tpu.memref_slice %arg8[%dma_start3A_44, %dma_start3A_45] : memref<1000x128xf32, #tpu.memory_space<vmem>> -> memref<128x128xf32, #tpu.memory_space<vmem>>
    %dma_start3A_47 = arith.constant 0 : i32
    %dma_start3A_48 = tpu.memref_slice %arg7[%dma_start3A_47] : memref<1024xi32, #tpu.memory_space<vmem>> -> memref<128xi32, #tpu.memory_space<vmem>>
    %dma_start3A_49 = arith.constant 0 : i32
    %dma_start3A_50 = arith.constant 0 : i32
    %dma_start3A_51 = tpu.memref_slice %arg3[%dma_start3A_49, %dma_start3A_50] : memref<100000x128xf32, #tpu.memory_space<hbm>> -> memref<100000x128xf32, #tpu.memory_space<hbm>>
    %dma_start3A_52 = tpu.memref_slice %arg9[%dma_start3A_43] : memref<8x!tpu.dma_semaphore, #tpu.memory_space<semaphore_mem>> -> memref<1x!tpu.dma_semaphore, #tpu.memory_space<semaphore_mem>>
    %dma_start3A_53 = tpu.memref_squeeze %dma_start3A_52 : memref<1x!tpu.dma_semaphore, #tpu.memory_space<semaphore_mem>> -> memref<!tpu.dma_semaphore, #tpu.memory_space<semaphore_mem>>
    tpu.enqueue_indirect_dma source(%dma_start3A_51 : memref<100000x128xf32, #tpu.memory_space<hbm>>) target(%dma_start3A_46 : memref<128x128xf32, #tpu.memory_space<vmem>>) offsets(%dma_start3A_48 : memref<128xi32, #tpu.memory_space<vmem>>) semaphore(%dma_start3A_53 : memref<!tpu.dma_semaphore, #tpu.memory_space<semaphore_mem>>)
    %dma_start3A_54 = arith.constant 1 : i32
    %dma_start3A_55 = arith.constant 128 : i32
    %dma_start3A_56 = arith.constant 0 : i32
    %dma_start3A_57 = tpu.memref_slice %arg8[%dma_start3A_55, %dma_start3A_56] : memref<1000x128xf32, #tpu.memory_space<vmem>> -> memref<128x128xf32, #tpu.memory_space<vmem>>
    %dma_start3A_58 = arith.constant 128 : i32
    %dma_start3A_59 = tpu.memref_slice %arg7[%dma_start3A_58] : memref<1024xi32, #tpu.memory_space<vmem>> -> memref<128xi32, #tpu.memory_space<vmem>>
    %dma_start3A_60 = arith.constant 0 : i32
    %dma_start3A_61 = arith.constant 0 : i32
    %dma_start3A_62 = tpu.memref_slice %arg3[%dma_start3A_60, %dma_start3A_61] : memref<100000x128xf32, #tpu.memory_space<hbm>> -> memref<100000x128xf32, #tpu.memory_space<hbm>>
    %dma_start3A_63 = tpu.memref_slice %arg9[%dma_start3A_54] : memref<8x!tpu.dma_semaphore, #tpu.memory_space<semaphore_mem>> -> memref<1x!tpu.dma_semaphore, #tpu.memory_space<semaphore_mem>>
    %dma_start3A_64 = tpu.memref_squeeze %dma_start3A_63 : memref<1x!tpu.dma_semaphore, #tpu.memory_space<semaphore_mem>> -> memref<!tpu.dma_semaphore, #tpu.memory_space<semaphore_mem>>
    tpu.enqueue_indirect_dma source(%dma_start3A_62 : memref<100000x128xf32, #tpu.memory_space<hbm>>) target(%dma_start3A_57 : memref<128x128xf32, #tpu.memory_space<vmem>>) offsets(%dma_start3A_59 : memref<128xi32, #tpu.memory_space<vmem>>) semaphore(%dma_start3A_64 : memref<!tpu.dma_semaphore, #tpu.memory_space<semaphore_mem>>)
    %dma_start3A_65 = arith.constant 2 : i32
    %dma_start3A_66 = arith.constant 256 : i32
    %dma_start3A_67 = arith.constant 0 : i32
    %dma_start3A_68 = tpu.memref_slice %arg8[%dma_start3A_66, %dma_start3A_67] : memref<1000x128xf32, #tpu.memory_space<vmem>> -> memref<128x128xf32, #tpu.memory_space<vmem>>
    %dma_start3A_69 = arith.constant 256 : i32
    %dma_start3A_70 = tpu.memref_slice %arg7[%dma_start3A_69] : memref<1024xi32, #tpu.memory_space<vmem>> -> memref<128xi32, #tpu.memory_space<vmem>>
    %dma_start3A_71 = arith.constant 0 : i32
    %dma_start3A_72 = arith.constant 0 : i32
    %dma_start3A_73 = tpu.memref_slice %arg3[%dma_start3A_71, %dma_start3A_72] : memref<100000x128xf32, #tpu.memory_space<hbm>> -> memref<100000x128xf32, #tpu.memory_space<hbm>>
    %dma_start3A_74 = tpu.memref_slice %arg9[%dma_start3A_65] : memref<8x!tpu.dma_semaphore, #tpu.memory_space<semaphore_mem>> -> memref<1x!tpu.dma_semaphore, #tpu.memory_space<semaphore_mem>>
    %dma_start3A_75 = tpu.memref_squeeze %dma_start3A_74 : memref<1x!tpu.dma_semaphore, #tpu.memory_space<semaphore_mem>> -> memref<!tpu.dma_semaphore, #tpu.memory_space<semaphore_mem>>
    tpu.enqueue_indirect_dma source(%dma_start3A_73 : memref<100000x128xf32, #tpu.memory_space<hbm>>) target(%dma_start3A_68 : memref<128x128xf32, #tpu.memory_space<vmem>>) offsets(%dma_start3A_70 : memref<128xi32, #tpu.memory_space<vmem>>) semaphore(%dma_start3A_75 : memref<!tpu.dma_semaphore, #tpu.memory_space<semaphore_mem>>)
    %dma_start3A_76 = arith.constant 3 : i32
    %dma_start3A_77 = arith.constant 384 : i32
    %dma_start3A_78 = arith.constant 0 : i32
    %dma_start3A_79 = tpu.memref_slice %arg8[%dma_start3A_77, %dma_start3A_78] : memref<1000x128xf32, #tpu.memory_space<vmem>> -> memref<128x128xf32, #tpu.memory_space<vmem>>
    %dma_start3A_80 = arith.constant 384 : i32
    %dma_start3A_81 = tpu.memref_slice %arg7[%dma_start3A_80] : memref<1024xi32, #tpu.memory_space<vmem>> -> memref<128xi32, #tpu.memory_space<vmem>>
    %dma_start3A_82 = arith.constant 0 : i32
    %dma_start3A_83 = arith.constant 0 : i32
    %dma_start3A_84 = tpu.memref_slice %arg3[%dma_start3A_82, %dma_start3A_83] : memref<100000x128xf32, #tpu.memory_space<hbm>> -> memref<100000x128xf32, #tpu.memory_space<hbm>>
    %dma_start3A_85 = tpu.memref_slice %arg9[%dma_start3A_76] : memref<8x!tpu.dma_semaphore, #tpu.memory_space<semaphore_mem>> -> memref<1x!tpu.dma_semaphore, #tpu.memory_space<semaphore_mem>>
    %dma_start3A_86 = tpu.memref_squeeze %dma_start3A_85 : memref<1x!tpu.dma_semaphore, #tpu.memory_space<semaphore_mem>> -> memref<!tpu.dma_semaphore, #tpu.memory_space<semaphore_mem>>
    tpu.enqueue_indirect_dma source(%dma_start3A_84 : memref<100000x128xf32, #tpu.memory_space<hbm>>) target(%dma_start3A_79 : memref<128x128xf32, #tpu.memory_space<vmem>>) offsets(%dma_start3A_81 : memref<128xi32, #tpu.memory_space<vmem>>) semaphore(%dma_start3A_86 : memref<!tpu.dma_semaphore, #tpu.memory_space<semaphore_mem>>)
    %dma_wait3A_87 = arith.constant 1 : i32
    %dma_wait3A_88 = arith.constant 1 : i32
    %dma_wait3A_89 = arith.constant 512 : i32
    %dma_wait3A_90 = tpu.memref_slice %arg7[%dma_wait3A_89] : memref<1024xi32, #tpu.memory_space<vmem>> -> memref<512xi32, #tpu.memory_space<vmem>>
    %dma_wait3A_91 = arith.constant 0 : i32
    %dma_wait3A_92 = tpu.memref_slice %arg2[%dma_wait3A_87, %add3A, %dma_wait3A_91] : memref<2x32x512xi32, #tpu.memory_space<hbm>> -> memref<1x1x512xi32, #tpu.memory_space<hbm>>
    %dma_wait3A_93 = tpu.memref_squeeze %dma_wait3A_92 : memref<1x1x512xi32, #tpu.memory_space<hbm>> -> memref<512xi32, #tpu.memory_space<hbm>>
    %dma_wait3A_94 = tpu.memref_slice %arg10[%dma_wait3A_88] : memref<8x!tpu.dma_semaphore, #tpu.memory_space<semaphore_mem>> -> memref<1x!tpu.dma_semaphore, #tpu.memory_space<semaphore_mem>>
    %dma_wait3A_95 = tpu.memref_squeeze %dma_wait3A_94 : memref<1x!tpu.dma_semaphore, #tpu.memory_space<semaphore_mem>> -> memref<!tpu.dma_semaphore, #tpu.memory_space<semaphore_mem>>
    %dma_wait3A_96 = arith.constant 512 : i32
    %dma_wait3A_97 = tpu.memref_slice %arg7[%dma_wait3A_96] : memref<1024xi32, #tpu.memory_space<vmem>> -> memref<512xi32, #tpu.memory_space<vmem>>
    %dma_wait3A_98 = arith.constant 0 : i32
    %dma_wait3A_99 = tpu.memref_slice %arg2[%dma_wait3A_87, %add3A, %dma_wait3A_98] : memref<2x32x512xi32, #tpu.memory_space<hbm>> -> memref<1x1x512xi32, #tpu.memory_space<hbm>>
    %dma_wait3A_100 = tpu.memref_squeeze %dma_wait3A_99 : memref<1x1x512xi32, #tpu.memory_space<hbm>> -> memref<512xi32, #tpu.memory_space<hbm>>
    tpu.wait_dma2 semaphore(%dma_wait3A_95 : memref<!tpu.dma_semaphore, #tpu.memory_space<semaphore_mem>>) src(%dma_wait3A_100 : memref<512xi32, #tpu.memory_space<hbm>>) dst(%dma_wait3A_97 : memref<512xi32, #tpu.memory_space<vmem>>)
    %dma_start3A_101 = arith.constant 4 : i32
    %dma_start3A_102 = arith.constant 512 : i32
    %dma_start3A_103 = arith.constant 0 : i32
    %dma_start3A_104 = tpu.memref_slice %arg8[%dma_start3A_102, %dma_start3A_103] : memref<1000x128xf32, #tpu.memory_space<vmem>> -> memref<128x128xf32, #tpu.memory_space<vmem>>
    %dma_start3A_105 = arith.constant 512 : i32
    %dma_start3A_106 = tpu.memref_slice %arg7[%dma_start3A_105] : memref<1024xi32, #tpu.memory_space<vmem>> -> memref<128xi32, #tpu.memory_space<vmem>>
    %dma_start3A_107 = arith.constant 0 : i32
    %dma_start3A_108 = arith.constant 0 : i32
    %dma_start3A_109 = tpu.memref_slice %arg4[%dma_start3A_107, %dma_start3A_108] : memref<100000x128xf32, #tpu.memory_space<hbm>> -> memref<100000x128xf32, #tpu.memory_space<hbm>>
    %dma_start3A_110 = tpu.memref_slice %arg9[%dma_start3A_101] : memref<8x!tpu.dma_semaphore, #tpu.memory_space<semaphore_mem>> -> memref<1x!tpu.dma_semaphore, #tpu.memory_space<semaphore_mem>>
    %dma_start3A_111 = tpu.memref_squeeze %dma_start3A_110 : memref<1x!tpu.dma_semaphore, #tpu.memory_space<semaphore_mem>> -> memref<!tpu.dma_semaphore, #tpu.memory_space<semaphore_mem>>
    tpu.enqueue_indirect_dma source(%dma_start3A_109 : memref<100000x128xf32, #tpu.memory_space<hbm>>) target(%dma_start3A_104 : memref<128x128xf32, #tpu.memory_space<vmem>>) offsets(%dma_start3A_106 : memref<128xi32, #tpu.memory_space<vmem>>) semaphore(%dma_start3A_111 : memref<!tpu.dma_semaphore, #tpu.memory_space<semaphore_mem>>)
    %dma_wait3A_112 = arith.constant 0 : i32
    %dma_wait3A_113 = arith.constant 0 : i32
    %dma_wait3A_114 = arith.constant 0 : i32
    %dma_wait3A_115 = tpu.memref_slice %arg8[%dma_wait3A_113, %dma_wait3A_114] : memref<1000x128xf32, #tpu.memory_space<vmem>> -> memref<128x128xf32, #tpu.memory_space<vmem>>
    %dma_wait3A_116 = arith.constant 0 : i32
    %dma_wait3A_117 = tpu.memref_slice %arg7[%dma_wait3A_116] : memref<1024xi32, #tpu.memory_space<vmem>> -> memref<128xi32, #tpu.memory_space<vmem>>
    %dma_wait3A_118 = arith.constant 0 : i32
    %dma_wait3A_119 = arith.constant 0 : i32
    %dma_wait3A_120 = tpu.memref_slice %arg3[%dma_wait3A_118, %dma_wait3A_119] : memref<100000x128xf32, #tpu.memory_space<hbm>> -> memref<100000x128xf32, #tpu.memory_space<hbm>>
    %dma_wait3A_121 = tpu.memref_slice %arg9[%dma_wait3A_112] : memref<8x!tpu.dma_semaphore, #tpu.memory_space<semaphore_mem>> -> memref<1x!tpu.dma_semaphore, #tpu.memory_space<semaphore_mem>>
    %dma_wait3A_122 = tpu.memref_squeeze %dma_wait3A_121 : memref<1x!tpu.dma_semaphore, #tpu.memory_space<semaphore_mem>> -> memref<!tpu.dma_semaphore, #tpu.memory_space<semaphore_mem>>
    tpu.wait_indirect_dma semaphore(%dma_wait3A_122 : memref<!tpu.dma_semaphore, #tpu.memory_space<semaphore_mem>>) src(%dma_wait3A_120 : memref<100000x128xf32, #tpu.memory_space<hbm>>) dst(%dma_wait3A_115 : memref<128x128xf32, #tpu.memory_space<vmem>>)
    %add3A_123 = arith.constant 0 : i32
    %add3A_124 = arith.addi %mul3A_2, %add3A_123 : i32
    %dma_start3A_125 = arith.constant 0 : i32
    %dma_start3A_126 = arith.constant 0 : i32
    %dma_start3A_127 = arith.constant 0 : i32
    %dma_start3A_128 = tpu.memref_slice %arg8[%dma_start3A_126, %dma_start3A_127] : memref<1000x128xf32, #tpu.memory_space<vmem>> -> memref<128x128xf32, #tpu.memory_space<vmem>>
    %dma_start3A_129 = arith.constant 0 : i32
    %dma_start3A_130 = tpu.memref_slice %arg5[%add3A_124, %dma_start3A_129] : memref<16384x128xf32, #tpu.memory_space<hbm>> -> memref<128x128xf32, #tpu.memory_space<hbm>>
    %dma_start3A_131 = tpu.memref_slice %arg10[%dma_start3A_125] : memref<8x!tpu.dma_semaphore, #tpu.memory_space<semaphore_mem>> -> memref<1x!tpu.dma_semaphore, #tpu.memory_space<semaphore_mem>>
    %dma_start3A_132 = tpu.memref_squeeze %dma_start3A_131 : memref<1x!tpu.dma_semaphore, #tpu.memory_space<semaphore_mem>> -> memref<!tpu.dma_semaphore, #tpu.memory_space<semaphore_mem>>
    %dma_start3A_133 = arith.constant 0 : i32
    %dma_start3A_134 = tpu.memref_slice %arg5[%add3A_124, %dma_start3A_133] : memref<16384x128xf32, #tpu.memory_space<hbm>> -> memref<128x128xf32, #tpu.memory_space<hbm>>
    %dma_start3A_135 = arith.constant 0 : i32
    %dma_start3A_136 = arith.constant 0 : i32
    %dma_start3A_137 = tpu.memref_slice %arg8[%dma_start3A_135, %dma_start3A_136] : memref<1000x128xf32, #tpu.memory_space<vmem>> -> memref<128x128xf32, #tpu.memory_space<vmem>>
    tpu.enqueue_dma source(%dma_start3A_137 : memref<128x128xf32, #tpu.memory_space<vmem>>) target(%dma_start3A_134 : memref<128x128xf32, #tpu.memory_space<hbm>>) target_semaphore(%dma_start3A_132 : memref<!tpu.dma_semaphore, #tpu.memory_space<semaphore_mem>>)
    %dma_start3A_138 = arith.constant 5 : i32
    %dma_start3A_139 = arith.constant 640 : i32
    %dma_start3A_140 = arith.constant 0 : i32
    %dma_start3A_141 = tpu.memref_slice %arg8[%dma_start3A_139, %dma_start3A_140] : memref<1000x128xf32, #tpu.memory_space<vmem>> -> memref<128x128xf32, #tpu.memory_space<vmem>>
    %dma_start3A_142 = arith.constant 640 : i32
    %dma_start3A_143 = tpu.memref_slice %arg7[%dma_start3A_142] : memref<1024xi32, #tpu.memory_space<vmem>> -> memref<128xi32, #tpu.memory_space<vmem>>
    %dma_start3A_144 = arith.constant 0 : i32
    %dma_start3A_145 = arith.constant 0 : i32
    %dma_start3A_146 = tpu.memref_slice %arg4[%dma_start3A_144, %dma_start3A_145] : memref<100000x128xf32, #tpu.memory_space<hbm>> -> memref<100000x128xf32, #tpu.memory_space<hbm>>
    %dma_start3A_147 = tpu.memref_slice %arg9[%dma_start3A_138] : memref<8x!tpu.dma_semaphore, #tpu.memory_space<semaphore_mem>> -> memref<1x!tpu.dma_semaphore, #tpu.memory_space<semaphore_mem>>
    %dma_start3A_148 = tpu.memref_squeeze %dma_start3A_147 : memref<1x!tpu.dma_semaphore, #tpu.memory_space<semaphore_mem>> -> memref<!tpu.dma_semaphore, #tpu.memory_space<semaphore_mem>>
    tpu.enqueue_indirect_dma source(%dma_start3A_146 : memref<100000x128xf32, #tpu.memory_space<hbm>>) target(%dma_start3A_141 : memref<128x128xf32, #tpu.memory_space<vmem>>) offsets(%dma_start3A_143 : memref<128xi32, #tpu.memory_space<vmem>>) semaphore(%dma_start3A_148 : memref<!tpu.dma_semaphore, #tpu.memory_space<semaphore_mem>>)
    %dma_wait3A_149 = arith.constant 1 : i32
    %dma_wait3A_150 = arith.constant 128 : i32
    %dma_wait3A_151 = arith.constant 0 : i32
    %dma_wait3A_152 = tpu.memref_slice %arg8[%dma_wait3A_150, %dma_wait3A_151] : memref<1000x128xf32, #tpu.memory_space<vmem>> -> memref<128x128xf32, #tpu.memory_space<vmem>>
    %dma_wait3A_153 = arith.constant 128 : i32
    %dma_wait3A_154 = tpu.memref_slice %arg7[%dma_wait3A_153] : memref<1024xi32, #tpu.memory_space<vmem>> -> memref<128xi32, #tpu.memory_space<vmem>>
    %dma_wait3A_155 = arith.constant 0 : i32
    %dma_wait3A_156 = arith.constant 0 : i32
    %dma_wait3A_157 = tpu.memref_slice %arg3[%dma_wait3A_155, %dma_wait3A_156] : memref<100000x128xf32, #tpu.memory_space<hbm>> -> memref<100000x128xf32, #tpu.memory_space<hbm>>
    %dma_wait3A_158 = tpu.memref_slice %arg9[%dma_wait3A_149] : memref<8x!tpu.dma_semaphore, #tpu.memory_space<semaphore_mem>> -> memref<1x!tpu.dma_semaphore, #tpu.memory_space<semaphore_mem>>
    %dma_wait3A_159 = tpu.memref_squeeze %dma_wait3A_158 : memref<1x!tpu.dma_semaphore, #tpu.memory_space<semaphore_mem>> -> memref<!tpu.dma_semaphore, #tpu.memory_space<semaphore_mem>>
    tpu.wait_indirect_dma semaphore(%dma_wait3A_159 : memref<!tpu.dma_semaphore, #tpu.memory_space<semaphore_mem>>) src(%dma_wait3A_157 : memref<100000x128xf32, #tpu.memory_space<hbm>>) dst(%dma_wait3A_152 : memref<128x128xf32, #tpu.memory_space<vmem>>)
    %add3A_160 = arith.constant 128 : i32
    %add3A_161 = arith.addi %mul3A_2, %add3A_160 : i32
    %dma_start3A_162 = arith.constant 1 : i32
    %dma_start3A_163 = arith.constant 128 : i32
    %dma_start3A_164 = arith.constant 0 : i32
    %dma_start3A_165 = tpu.memref_slice %arg8[%dma_start3A_163, %dma_start3A_164] : memref<1000x128xf32, #tpu.memory_space<vmem>> -> memref<128x128xf32, #tpu.memory_space<vmem>>
    %dma_start3A_166 = arith.constant 0 : i32
    %dma_start3A_167 = tpu.memref_slice %arg5[%add3A_161, %dma_start3A_166] : memref<16384x128xf32, #tpu.memory_space<hbm>> -> memref<128x128xf32, #tpu.memory_space<hbm>>
    %dma_start3A_168 = tpu.memref_slice %arg10[%dma_start3A_162] : memref<8x!tpu.dma_semaphore, #tpu.memory_space<semaphore_mem>> -> memref<1x!tpu.dma_semaphore, #tpu.memory_space<semaphore_mem>>
    %dma_start3A_169 = tpu.memref_squeeze %dma_start3A_168 : memref<1x!tpu.dma_semaphore, #tpu.memory_space<semaphore_mem>> -> memref<!tpu.dma_semaphore, #tpu.memory_space<semaphore_mem>>
    %dma_start3A_170 = arith.constant 0 : i32
    %dma_start3A_171 = tpu.memref_slice %arg5[%add3A_161, %dma_start3A_170] : memref<16384x128xf32, #tpu.memory_space<hbm>> -> memref<128x128xf32, #tpu.memory_space<hbm>>
    %dma_start3A_172 = arith.constant 128 : i32
    %dma_start3A_173 = arith.constant 0 : i32
    %dma_start3A_174 = tpu.memref_slice %arg8[%dma_start3A_172, %dma_start3A_173] : memref<1000x128xf32, #tpu.memory_space<vmem>> -> memref<128x128xf32, #tpu.memory_space<vmem>>
    tpu.enqueue_dma source(%dma_start3A_174 : memref<128x128xf32, #tpu.memory_space<vmem>>) target(%dma_start3A_171 : memref<128x128xf32, #tpu.memory_space<hbm>>) target_semaphore(%dma_start3A_169 : memref<!tpu.dma_semaphore, #tpu.memory_space<semaphore_mem>>)
    %dma_start3A_175 = arith.constant 6 : i32
    %dma_start3A_176 = arith.constant 768 : i32
    %dma_start3A_177 = arith.constant 0 : i32
    %dma_start3A_178 = tpu.memref_slice %arg8[%dma_start3A_176, %dma_start3A_177] : memref<1000x128xf32, #tpu.memory_space<vmem>> -> memref<128x128xf32, #tpu.memory_space<vmem>>
    %dma_start3A_179 = arith.constant 768 : i32
    %dma_start3A_180 = tpu.memref_slice %arg7[%dma_start3A_179] : memref<1024xi32, #tpu.memory_space<vmem>> -> memref<128xi32, #tpu.memory_space<vmem>>
    %dma_start3A_181 = arith.constant 0 : i32
    %dma_start3A_182 = arith.constant 0 : i32
    %dma_start3A_183 = tpu.memref_slice %arg4[%dma_start3A_181, %dma_start3A_182] : memref<100000x128xf32, #tpu.memory_space<hbm>> -> memref<100000x128xf32, #tpu.memory_space<hbm>>
    %dma_start3A_184 = tpu.memref_slice %arg9[%dma_start3A_175] : memref<8x!tpu.dma_semaphore, #tpu.memory_space<semaphore_mem>> -> memref<1x!tpu.dma_semaphore, #tpu.memory_space<semaphore_mem>>
    %dma_start3A_185 = tpu.memref_squeeze %dma_start3A_184 : memref<1x!tpu.dma_semaphore, #tpu.memory_space<semaphore_mem>> -> memref<!tpu.dma_semaphore, #tpu.memory_space<semaphore_mem>>
    tpu.enqueue_indirect_dma source(%dma_start3A_183 : memref<100000x128xf32, #tpu.memory_space<hbm>>) target(%dma_start3A_178 : memref<128x128xf32, #tpu.memory_space<vmem>>) offsets(%dma_start3A_180 : memref<128xi32, #tpu.memory_space<vmem>>) semaphore(%dma_start3A_185 : memref<!tpu.dma_semaphore, #tpu.memory_space<semaphore_mem>>)
    %dma_wait3A_186 = arith.constant 2 : i32
    %dma_wait3A_187 = arith.constant 256 : i32
    %dma_wait3A_188 = arith.constant 0 : i32
    %dma_wait3A_189 = tpu.memref_slice %arg8[%dma_wait3A_187, %dma_wait3A_188] : memref<1000x128xf32, #tpu.memory_space<vmem>> -> memref<128x128xf32, #tpu.memory_space<vmem>>
    %dma_wait3A_190 = arith.constant 256 : i32
    %dma_wait3A_191 = tpu.memref_slice %arg7[%dma_wait3A_190] : memref<1024xi32, #tpu.memory_space<vmem>> -> memref<128xi32, #tpu.memory_space<vmem>>
    %dma_wait3A_192 = arith.constant 0 : i32
    %dma_wait3A_193 = arith.constant 0 : i32
    %dma_wait3A_194 = tpu.memref_slice %arg3[%dma_wait3A_192, %dma_wait3A_193] : memref<100000x128xf32, #tpu.memory_space<hbm>> -> memref<100000x128xf32, #tpu.memory_space<hbm>>
    %dma_wait3A_195 = tpu.memref_slice %arg9[%dma_wait3A_186] : memref<8x!tpu.dma_semaphore, #tpu.memory_space<semaphore_mem>> -> memref<1x!tpu.dma_semaphore, #tpu.memory_space<semaphore_mem>>
    %dma_wait3A_196 = tpu.memref_squeeze %dma_wait3A_195 : memref<1x!tpu.dma_semaphore, #tpu.memory_space<semaphore_mem>> -> memref<!tpu.dma_semaphore, #tpu.memory_space<semaphore_mem>>
    tpu.wait_indirect_dma semaphore(%dma_wait3A_196 : memref<!tpu.dma_semaphore, #tpu.memory_space<semaphore_mem>>) src(%dma_wait3A_194 : memref<100000x128xf32, #tpu.memory_space<hbm>>) dst(%dma_wait3A_189 : memref<128x128xf32, #tpu.memory_space<vmem>>)
    %add3A_197 = arith.constant 256 : i32
    %add3A_198 = arith.addi %mul3A_2, %add3A_197 : i32
    %dma_start3A_199 = arith.constant 2 : i32
    %dma_start3A_200 = arith.constant 256 : i32
    %dma_start3A_201 = arith.constant 0 : i32
    %dma_start3A_202 = tpu.memref_slice %arg8[%dma_start3A_200, %dma_start3A_201] : memref<1000x128xf32, #tpu.memory_space<vmem>> -> memref<128x128xf32, #tpu.memory_space<vmem>>
    %dma_start3A_203 = arith.constant 0 : i32
    %dma_start3A_204 = tpu.memref_slice %arg5[%add3A_198, %dma_start3A_203] : memref<16384x128xf32, #tpu.memory_space<hbm>> -> memref<128x128xf32, #tpu.memory_space<hbm>>
    %dma_start3A_205 = tpu.memref_slice %arg10[%dma_start3A_199] : memref<8x!tpu.dma_semaphore, #tpu.memory_space<semaphore_mem>> -> memref<1x!tpu.dma_semaphore, #tpu.memory_space<semaphore_mem>>
    %dma_start3A_206 = tpu.memref_squeeze %dma_start3A_205 : memref<1x!tpu.dma_semaphore, #tpu.memory_space<semaphore_mem>> -> memref<!tpu.dma_semaphore, #tpu.memory_space<semaphore_mem>>
    %dma_start3A_207 = arith.constant 0 : i32
    %dma_start3A_208 = tpu.memref_slice %arg5[%add3A_198, %dma_start3A_207] : memref<16384x128xf32, #tpu.memory_space<hbm>> -> memref<128x128xf32, #tpu.memory_space<hbm>>
    %dma_start3A_209 = arith.constant 256 : i32
    %dma_start3A_210 = arith.constant 0 : i32
    %dma_start3A_211 = tpu.memref_slice %arg8[%dma_start3A_209, %dma_start3A_210] : memref<1000x128xf32, #tpu.memory_space<vmem>> -> memref<128x128xf32, #tpu.memory_space<vmem>>
    tpu.enqueue_dma source(%dma_start3A_211 : memref<128x128xf32, #tpu.memory_space<vmem>>) target(%dma_start3A_208 : memref<128x128xf32, #tpu.memory_space<hbm>>) target_semaphore(%dma_start3A_206 : memref<!tpu.dma_semaphore, #tpu.memory_space<semaphore_mem>>)
    %dma_start3A_212 = arith.constant 7 : i32
    %dma_start3A_213 = arith.constant 896 : i32
    %dma_start3A_214 = arith.constant 0 : i32
    %dma_start3A_215 = tpu.memref_slice %arg8[%dma_start3A_213, %dma_start3A_214] : memref<1000x128xf32, #tpu.memory_space<vmem>> -> memref<104x128xf32, #tpu.memory_space<vmem>>
    %dma_start3A_216 = arith.constant 896 : i32
    %dma_start3A_217 = tpu.memref_slice %arg7[%dma_start3A_216] : memref<1024xi32, #tpu.memory_space<vmem>> -> memref<104xi32, #tpu.memory_space<vmem>>
    %dma_start3A_218 = arith.constant 0 : i32
    %dma_start3A_219 = arith.constant 0 : i32
    %dma_start3A_220 = tpu.memref_slice %arg4[%dma_start3A_218, %dma_start3A_219] : memref<100000x128xf32, #tpu.memory_space<hbm>> -> memref<100000x128xf32, #tpu.memory_space<hbm>>
    %dma_start3A_221 = tpu.memref_slice %arg9[%dma_start3A_212] : memref<8x!tpu.dma_semaphore, #tpu.memory_space<semaphore_mem>> -> memref<1x!tpu.dma_semaphore, #tpu.memory_space<semaphore_mem>>
    %dma_start3A_222 = tpu.memref_squeeze %dma_start3A_221 : memref<1x!tpu.dma_semaphore, #tpu.memory_space<semaphore_mem>> -> memref<!tpu.dma_semaphore, #tpu.memory_space<semaphore_mem>>
    tpu.enqueue_indirect_dma source(%dma_start3A_220 : memref<100000x128xf32, #tpu.memory_space<hbm>>) target(%dma_start3A_215 : memref<104x128xf32, #tpu.memory_space<vmem>>) offsets(%dma_start3A_217 : memref<104xi32, #tpu.memory_space<vmem>>) semaphore(%dma_start3A_222 : memref<!tpu.dma_semaphore, #tpu.memory_space<semaphore_mem>>)
    %dma_wait3A_223 = arith.constant 3 : i32
    %dma_wait3A_224 = arith.constant 384 : i32
    %dma_wait3A_225 = arith.constant 0 : i32
    %dma_wait3A_226 = tpu.memref_slice %arg8[%dma_wait3A_224, %dma_wait3A_225] : memref<1000x128xf32, #tpu.memory_space<vmem>> -> memref<128x128xf32, #tpu.memory_space<vmem>>
    %dma_wait3A_227 = arith.constant 384 : i32
    %dma_wait3A_228 = tpu.memref_slice %arg7[%dma_wait3A_227] : memref<1024xi32, #tpu.memory_space<vmem>> -> memref<128xi32, #tpu.memory_space<vmem>>
    %dma_wait3A_229 = arith.constant 0 : i32
    %dma_wait3A_230 = arith.constant 0 : i32
    %dma_wait3A_231 = tpu.memref_slice %arg3[%dma_wait3A_229, %dma_wait3A_230] : memref<100000x128xf32, #tpu.memory_space<hbm>> -> memref<100000x128xf32, #tpu.memory_space<hbm>>
    %dma_wait3A_232 = tpu.memref_slice %arg9[%dma_wait3A_223] : memref<8x!tpu.dma_semaphore, #tpu.memory_space<semaphore_mem>> -> memref<1x!tpu.dma_semaphore, #tpu.memory_space<semaphore_mem>>
    %dma_wait3A_233 = tpu.memref_squeeze %dma_wait3A_232 : memref<1x!tpu.dma_semaphore, #tpu.memory_space<semaphore_mem>> -> memref<!tpu.dma_semaphore, #tpu.memory_space<semaphore_mem>>
    tpu.wait_indirect_dma semaphore(%dma_wait3A_233 : memref<!tpu.dma_semaphore, #tpu.memory_space<semaphore_mem>>) src(%dma_wait3A_231 : memref<100000x128xf32, #tpu.memory_space<hbm>>) dst(%dma_wait3A_226 : memref<128x128xf32, #tpu.memory_space<vmem>>)
    %add3A_234 = arith.constant 384 : i32
    %add3A_235 = arith.addi %mul3A_2, %add3A_234 : i32
    %dma_start3A_236 = arith.constant 3 : i32
    %dma_start3A_237 = arith.constant 384 : i32
    %dma_start3A_238 = arith.constant 0 : i32
    %dma_start3A_239 = tpu.memref_slice %arg8[%dma_start3A_237, %dma_start3A_238] : memref<1000x128xf32, #tpu.memory_space<vmem>> -> memref<128x128xf32, #tpu.memory_space<vmem>>
    %dma_start3A_240 = arith.constant 0 : i32
    %dma_start3A_241 = tpu.memref_slice %arg5[%add3A_235, %dma_start3A_240] : memref<16384x128xf32, #tpu.memory_space<hbm>> -> memref<128x128xf32, #tpu.memory_space<hbm>>
    %dma_start3A_242 = tpu.memref_slice %arg10[%dma_start3A_236] : memref<8x!tpu.dma_semaphore, #tpu.memory_space<semaphore_mem>> -> memref<1x!tpu.dma_semaphore, #tpu.memory_space<semaphore_mem>>
    %dma_start3A_243 = tpu.memref_squeeze %dma_start3A_242 : memref<1x!tpu.dma_semaphore, #tpu.memory_space<semaphore_mem>> -> memref<!tpu.dma_semaphore, #tpu.memory_space<semaphore_mem>>
    %dma_start3A_244 = arith.constant 0 : i32
    %dma_start3A_245 = tpu.memref_slice %arg5[%add3A_235, %dma_start3A_244] : memref<16384x128xf32, #tpu.memory_space<hbm>> -> memref<128x128xf32, #tpu.memory_space<hbm>>
    %dma_start3A_246 = arith.constant 384 : i32
    %dma_start3A_247 = arith.constant 0 : i32
    %dma_start3A_248 = tpu.memref_slice %arg8[%dma_start3A_246, %dma_start3A_247] : memref<1000x128xf32, #tpu.memory_space<vmem>> -> memref<128x128xf32, #tpu.memory_space<vmem>>
    tpu.enqueue_dma source(%dma_start3A_248 : memref<128x128xf32, #tpu.memory_space<vmem>>) target(%dma_start3A_245 : memref<128x128xf32, #tpu.memory_space<hbm>>) target_semaphore(%dma_start3A_243 : memref<!tpu.dma_semaphore, #tpu.memory_space<semaphore_mem>>)
    %dma_wait3A_249 = arith.constant 4 : i32
    %dma_wait3A_250 = arith.constant 512 : i32
    %dma_wait3A_251 = arith.constant 0 : i32
    %dma_wait3A_252 = tpu.memref_slice %arg8[%dma_wait3A_250, %dma_wait3A_251] : memref<1000x128xf32, #tpu.memory_space<vmem>> -> memref<128x128xf32, #tpu.memory_space<vmem>>
    %dma_wait3A_253 = arith.constant 512 : i32
    %dma_wait3A_254 = tpu.memref_slice %arg7[%dma_wait3A_253] : memref<1024xi32, #tpu.memory_space<vmem>> -> memref<128xi32, #tpu.memory_space<vmem>>
    %dma_wait3A_255 = arith.constant 0 : i32
    %dma_wait3A_256 = arith.constant 0 : i32
    %dma_wait3A_257 = tpu.memref_slice %arg4[%dma_wait3A_255, %dma_wait3A_256] : memref<100000x128xf32, #tpu.memory_space<hbm>> -> memref<100000x128xf32, #tpu.memory_space<hbm>>
    %dma_wait3A_258 = tpu.memref_slice %arg9[%dma_wait3A_249] : memref<8x!tpu.dma_semaphore, #tpu.memory_space<semaphore_mem>> -> memref<1x!tpu.dma_semaphore, #tpu.memory_space<semaphore_mem>>
    %dma_wait3A_259 = tpu.memref_squeeze %dma_wait3A_258 : memref<1x!tpu.dma_semaphore, #tpu.memory_space<semaphore_mem>> -> memref<!tpu.dma_semaphore, #tpu.memory_space<semaphore_mem>>
    tpu.wait_indirect_dma semaphore(%dma_wait3A_259 : memref<!tpu.dma_semaphore, #tpu.memory_space<semaphore_mem>>) src(%dma_wait3A_257 : memref<100000x128xf32, #tpu.memory_space<hbm>>) dst(%dma_wait3A_252 : memref<128x128xf32, #tpu.memory_space<vmem>>)
    %add3A_260 = arith.constant 0 : i32
    %add3A_261 = arith.addi %mul3A_2, %add3A_260 : i32
    %dma_start3A_262 = arith.constant 4 : i32
    %dma_start3A_263 = arith.constant 512 : i32
    %dma_start3A_264 = arith.constant 0 : i32
    %dma_start3A_265 = tpu.memref_slice %arg8[%dma_start3A_263, %dma_start3A_264] : memref<1000x128xf32, #tpu.memory_space<vmem>> -> memref<128x128xf32, #tpu.memory_space<vmem>>
    %dma_start3A_266 = arith.constant 0 : i32
    %dma_start3A_267 = tpu.memref_slice %arg6[%add3A_261, %dma_start3A_266] : memref<16384x128xf32, #tpu.memory_space<hbm>> -> memref<128x128xf32, #tpu.memory_space<hbm>>
    %dma_start3A_268 = tpu.memref_slice %arg10[%dma_start3A_262] : memref<8x!tpu.dma_semaphore, #tpu.memory_space<semaphore_mem>> -> memref<1x!tpu.dma_semaphore, #tpu.memory_space<semaphore_mem>>
    %dma_start3A_269 = tpu.memref_squeeze %dma_start3A_268 : memref<1x!tpu.dma_semaphore, #tpu.memory_space<semaphore_mem>> -> memref<!tpu.dma_semaphore, #tpu.memory_space<semaphore_mem>>
    %dma_start3A_270 = arith.constant 0 : i32
    %dma_start3A_271 = tpu.memref_slice %arg6[%add3A_261, %dma_start3A_270] : memref<16384x128xf32, #tpu.memory_space<hbm>> -> memref<128x128xf32, #tpu.memory_space<hbm>>
    %dma_start3A_272 = arith.constant 512 : i32
    %dma_start3A_273 = arith.constant 0 : i32
    %dma_start3A_274 = tpu.memref_slice %arg8[%dma_start3A_272, %dma_start3A_273] : memref<1000x128xf32, #tpu.memory_space<vmem>> -> memref<128x128xf32, #tpu.memory_space<vmem>>
    tpu.enqueue_dma source(%dma_start3A_274 : memref<128x128xf32, #tpu.memory_space<vmem>>) target(%dma_start3A_271 : memref<128x128xf32, #tpu.memory_space<hbm>>) target_semaphore(%dma_start3A_269 : memref<!tpu.dma_semaphore, #tpu.memory_space<semaphore_mem>>)
    %dma_wait3A_275 = arith.constant 5 : i32
    %dma_wait3A_276 = arith.constant 640 : i32
    %dma_wait3A_277 = arith.constant 0 : i32
    %dma_wait3A_278 = tpu.memref_slice %arg8[%dma_wait3A_276, %dma_wait3A_277] : memref<1000x128xf32, #tpu.memory_space<vmem>> -> memref<128x128xf32, #tpu.memory_space<vmem>>
    %dma_wait3A_279 = arith.constant 640 : i32
    %dma_wait3A_280 = tpu.memref_slice %arg7[%dma_wait3A_279] : memref<1024xi32, #tpu.memory_space<vmem>> -> memref<128xi32, #tpu.memory_space<vmem>>
    %dma_wait3A_281 = arith.constant 0 : i32
    %dma_wait3A_282 = arith.constant 0 : i32
    %dma_wait3A_283 = tpu.memref_slice %arg4[%dma_wait3A_281, %dma_wait3A_282] : memref<100000x128xf32, #tpu.memory_space<hbm>> -> memref<100000x128xf32, #tpu.memory_space<hbm>>
    %dma_wait3A_284 = tpu.memref_slice %arg9[%dma_wait3A_275] : memref<8x!tpu.dma_semaphore, #tpu.memory_space<semaphore_mem>> -> memref<1x!tpu.dma_semaphore, #tpu.memory_space<semaphore_mem>>
    %dma_wait3A_285 = tpu.memref_squeeze %dma_wait3A_284 : memref<1x!tpu.dma_semaphore, #tpu.memory_space<semaphore_mem>> -> memref<!tpu.dma_semaphore, #tpu.memory_space<semaphore_mem>>
    tpu.wait_indirect_dma semaphore(%dma_wait3A_285 : memref<!tpu.dma_semaphore, #tpu.memory_space<semaphore_mem>>) src(%dma_wait3A_283 : memref<100000x128xf32, #tpu.memory_space<hbm>>) dst(%dma_wait3A_278 : memref<128x128xf32, #tpu.memory_space<vmem>>)
    %add3A_286 = arith.constant 128 : i32
    %add3A_287 = arith.addi %mul3A_2, %add3A_286 : i32
    %dma_start3A_288 = arith.constant 5 : i32
    %dma_start3A_289 = arith.constant 640 : i32
    %dma_start3A_290 = arith.constant 0 : i32
    %dma_start3A_291 = tpu.memref_slice %arg8[%dma_start3A_289, %dma_start3A_290] : memref<1000x128xf32, #tpu.memory_space<vmem>> -> memref<128x128xf32, #tpu.memory_space<vmem>>
    %dma_start3A_292 = arith.constant 0 : i32
    %dma_start3A_293 = tpu.memref_slice %arg6[%add3A_287, %dma_start3A_292] : memref<16384x128xf32, #tpu.memory_space<hbm>> -> memref<128x128xf32, #tpu.memory_space<hbm>>
    %dma_start3A_294 = tpu.memref_slice %arg10[%dma_start3A_288] : memref<8x!tpu.dma_semaphore, #tpu.memory_space<semaphore_mem>> -> memref<1x!tpu.dma_semaphore, #tpu.memory_space<semaphore_mem>>
    %dma_start3A_295 = tpu.memref_squeeze %dma_start3A_294 : memref<1x!tpu.dma_semaphore, #tpu.memory_space<semaphore_mem>> -> memref<!tpu.dma_semaphore, #tpu.memory_space<semaphore_mem>>
    %dma_start3A_296 = arith.constant 0 : i32
    %dma_start3A_297 = tpu.memref_slice %arg6[%add3A_287, %dma_start3A_296] : memref<16384x128xf32, #tpu.memory_space<hbm>> -> memref<128x128xf32, #tpu.memory_space<hbm>>
    %dma_start3A_298 = arith.constant 640 : i32
    %dma_start3A_299 = arith.constant 0 : i32
    %dma_start3A_300 = tpu.memref_slice %arg8[%dma_start3A_298, %dma_start3A_299] : memref<1000x128xf32, #tpu.memory_space<vmem>> -> memref<128x128xf32, #tpu.memory_space<vmem>>
    tpu.enqueue_dma source(%dma_start3A_300 : memref<128x128xf32, #tpu.memory_space<vmem>>) target(%dma_start3A_297 : memref<128x128xf32, #tpu.memory_space<hbm>>) target_semaphore(%dma_start3A_295 : memref<!tpu.dma_semaphore, #tpu.memory_space<semaphore_mem>>)
    %dma_wait3A_301 = arith.constant 6 : i32
    %dma_wait3A_302 = arith.constant 768 : i32
    %dma_wait3A_303 = arith.constant 0 : i32
    %dma_wait3A_304 = tpu.memref_slice %arg8[%dma_wait3A_302, %dma_wait3A_303] : memref<1000x128xf32, #tpu.memory_space<vmem>> -> memref<128x128xf32, #tpu.memory_space<vmem>>
    %dma_wait3A_305 = arith.constant 768 : i32
    %dma_wait3A_306 = tpu.memref_slice %arg7[%dma_wait3A_305] : memref<1024xi32, #tpu.memory_space<vmem>> -> memref<128xi32, #tpu.memory_space<vmem>>
    %dma_wait3A_307 = arith.constant 0 : i32
    %dma_wait3A_308 = arith.constant 0 : i32
    %dma_wait3A_309 = tpu.memref_slice %arg4[%dma_wait3A_307, %dma_wait3A_308] : memref<100000x128xf32, #tpu.memory_space<hbm>> -> memref<100000x128xf32, #tpu.memory_space<hbm>>
    %dma_wait3A_310 = tpu.memref_slice %arg9[%dma_wait3A_301] : memref<8x!tpu.dma_semaphore, #tpu.memory_space<semaphore_mem>> -> memref<1x!tpu.dma_semaphore, #tpu.memory_space<semaphore_mem>>
    %dma_wait3A_311 = tpu.memref_squeeze %dma_wait3A_310 : memref<1x!tpu.dma_semaphore, #tpu.memory_space<semaphore_mem>> -> memref<!tpu.dma_semaphore, #tpu.memory_space<semaphore_mem>>
    tpu.wait_indirect_dma semaphore(%dma_wait3A_311 : memref<!tpu.dma_semaphore, #tpu.memory_space<semaphore_mem>>) src(%dma_wait3A_309 : memref<100000x128xf32, #tpu.memory_space<hbm>>) dst(%dma_wait3A_304 : memref<128x128xf32, #tpu.memory_space<vmem>>)
    %add3A_312 = arith.constant 256 : i32
    %add3A_313 = arith.addi %mul3A_2, %add3A_312 : i32
    %dma_start3A_314 = arith.constant 6 : i32
    %dma_start3A_315 = arith.constant 768 : i32
    %dma_start3A_316 = arith.constant 0 : i32
    %dma_start3A_317 = tpu.memref_slice %arg8[%dma_start3A_315, %dma_start3A_316] : memref<1000x128xf32, #tpu.memory_space<vmem>> -> memref<128x128xf32, #tpu.memory_space<vmem>>
    %dma_start3A_318 = arith.constant 0 : i32
    %dma_start3A_319 = tpu.memref_slice %arg6[%add3A_313, %dma_start3A_318] : memref<16384x128xf32, #tpu.memory_space<hbm>> -> memref<128x128xf32, #tpu.memory_space<hbm>>
    %dma_start3A_320 = tpu.memref_slice %arg10[%dma_start3A_314] : memref<8x!tpu.dma_semaphore, #tpu.memory_space<semaphore_mem>> -> memref<1x!tpu.dma_semaphore, #tpu.memory_space<semaphore_mem>>
    %dma_start3A_321 = tpu.memref_squeeze %dma_start3A_320 : memref<1x!tpu.dma_semaphore, #tpu.memory_space<semaphore_mem>> -> memref<!tpu.dma_semaphore, #tpu.memory_space<semaphore_mem>>
    %dma_start3A_322 = arith.constant 0 : i32
    %dma_start3A_323 = tpu.memref_slice %arg6[%add3A_313, %dma_start3A_322] : memref<16384x128xf32, #tpu.memory_space<hbm>> -> memref<128x128xf32, #tpu.memory_space<hbm>>
    %dma_start3A_324 = arith.constant 768 : i32
    %dma_start3A_325 = arith.constant 0 : i32
    %dma_start3A_326 = tpu.memref_slice %arg8[%dma_start3A_324, %dma_start3A_325] : memref<1000x128xf32, #tpu.memory_space<vmem>> -> memref<128x128xf32, #tpu.memory_space<vmem>>
    tpu.enqueue_dma source(%dma_start3A_326 : memref<128x128xf32, #tpu.memory_space<vmem>>) target(%dma_start3A_323 : memref<128x128xf32, #tpu.memory_space<hbm>>) target_semaphore(%dma_start3A_321 : memref<!tpu.dma_semaphore, #tpu.memory_space<semaphore_mem>>)
    %dma_wait3A_327 = arith.constant 7 : i32
    %dma_wait3A_328 = arith.constant 896 : i32
    %dma_wait3A_329 = arith.constant 0 : i32
    %dma_wait3A_330 = tpu.memref_slice %arg8[%dma_wait3A_328, %dma_wait3A_329] : memref<1000x128xf32, #tpu.memory_space<vmem>> -> memref<104x128xf32, #tpu.memory_space<vmem>>
    %dma_wait3A_331 = arith.constant 896 : i32
    %dma_wait3A_332 = tpu.memref_slice %arg7[%dma_wait3A_331] : memref<1024xi32, #tpu.memory_space<vmem>> -> memref<104xi32, #tpu.memory_space<vmem>>
    %dma_wait3A_333 = arith.constant 0 : i32
    %dma_wait3A_334 = arith.constant 0 : i32
    %dma_wait3A_335 = tpu.memref_slice %arg4[%dma_wait3A_333, %dma_wait3A_334] : memref<100000x128xf32, #tpu.memory_space<hbm>> -> memref<100000x128xf32, #tpu.memory_space<hbm>>
    %dma_wait3A_336 = tpu.memref_slice %arg9[%dma_wait3A_327] : memref<8x!tpu.dma_semaphore, #tpu.memory_space<semaphore_mem>> -> memref<1x!tpu.dma_semaphore, #tpu.memory_space<semaphore_mem>>
    %dma_wait3A_337 = tpu.memref_squeeze %dma_wait3A_336 : memref<1x!tpu.dma_semaphore, #tpu.memory_space<semaphore_mem>> -> memref<!tpu.dma_semaphore, #tpu.memory_space<semaphore_mem>>
    tpu.wait_indirect_dma semaphore(%dma_wait3A_337 : memref<!tpu.dma_semaphore, #tpu.memory_space<semaphore_mem>>) src(%dma_wait3A_335 : memref<100000x128xf32, #tpu.memory_space<hbm>>) dst(%dma_wait3A_330 : memref<104x128xf32, #tpu.memory_space<vmem>>)
    %add3A_338 = arith.constant 384 : i32
    %add3A_339 = arith.addi %mul3A_2, %add3A_338 : i32
    %dma_start3A_340 = arith.constant 7 : i32
    %dma_start3A_341 = arith.constant 896 : i32
    %dma_start3A_342 = arith.constant 0 : i32
    %dma_start3A_343 = tpu.memref_slice %arg8[%dma_start3A_341, %dma_start3A_342] : memref<1000x128xf32, #tpu.memory_space<vmem>> -> memref<104x128xf32, #tpu.memory_space<vmem>>
    %dma_start3A_344 = arith.constant 0 : i32
    %dma_start3A_345 = tpu.memref_slice %arg6[%add3A_339, %dma_start3A_344] : memref<16384x128xf32, #tpu.memory_space<hbm>> -> memref<104x128xf32, #tpu.memory_space<hbm>>
    %dma_start3A_346 = tpu.memref_slice %arg10[%dma_start3A_340] : memref<8x!tpu.dma_semaphore, #tpu.memory_space<semaphore_mem>> -> memref<1x!tpu.dma_semaphore, #tpu.memory_space<semaphore_mem>>
    %dma_start3A_347 = tpu.memref_squeeze %dma_start3A_346 : memref<1x!tpu.dma_semaphore, #tpu.memory_space<semaphore_mem>> -> memref<!tpu.dma_semaphore, #tpu.memory_space<semaphore_mem>>
    %dma_start3A_348 = arith.constant 0 : i32
    %dma_start3A_349 = tpu.memref_slice %arg6[%add3A_339, %dma_start3A_348] : memref<16384x128xf32, #tpu.memory_space<hbm>> -> memref<104x128xf32, #tpu.memory_space<hbm>>
    %dma_start3A_350 = arith.constant 896 : i32
    %dma_start3A_351 = arith.constant 0 : i32
    %dma_start3A_352 = tpu.memref_slice %arg8[%dma_start3A_350, %dma_start3A_351] : memref<1000x128xf32, #tpu.memory_space<vmem>> -> memref<104x128xf32, #tpu.memory_space<vmem>>
    tpu.enqueue_dma source(%dma_start3A_352 : memref<104x128xf32, #tpu.memory_space<vmem>>) target(%dma_start3A_349 : memref<104x128xf32, #tpu.memory_space<hbm>>) target_semaphore(%dma_start3A_347 : memref<!tpu.dma_semaphore, #tpu.memory_space<semaphore_mem>>)
    %dma_wait3A_353 = arith.constant 0 : i32
    %dma_wait3A_354 = arith.constant 0 : i32
    %dma_wait3A_355 = arith.constant 0 : i32
    %dma_wait3A_356 = tpu.memref_slice %arg8[%dma_wait3A_354, %dma_wait3A_355] : memref<1000x128xf32, #tpu.memory_space<vmem>> -> memref<128x128xf32, #tpu.memory_space<vmem>>
    %dma_wait3A_357 = arith.constant 0 : i32
    %dma_wait3A_358 = tpu.memref_slice %arg5[%add3A_124, %dma_wait3A_357] : memref<16384x128xf32, #tpu.memory_space<hbm>> -> memref<128x128xf32, #tpu.memory_space<hbm>>
    %dma_wait3A_359 = tpu.memref_slice %arg10[%dma_wait3A_353] : memref<8x!tpu.dma_semaphore, #tpu.memory_space<semaphore_mem>> -> memref<1x!tpu.dma_semaphore, #tpu.memory_space<semaphore_mem>>
    %dma_wait3A_360 = tpu.memref_squeeze %dma_wait3A_359 : memref<1x!tpu.dma_semaphore, #tpu.memory_space<semaphore_mem>> -> memref<!tpu.dma_semaphore, #tpu.memory_space<semaphore_mem>>
    %dma_wait3A_361 = arith.constant 0 : i32
    %dma_wait3A_362 = tpu.memref_slice %arg5[%add3A_124, %dma_wait3A_361] : memref<16384x128xf32, #tpu.memory_space<hbm>> -> memref<128x128xf32, #tpu.memory_space<hbm>>
    %dma_wait3A_363 = arith.constant 0 : i32
    %dma_wait3A_364 = arith.constant 0 : i32
    %dma_wait3A_365 = tpu.memref_slice %arg8[%dma_wait3A_363, %dma_wait3A_364] : memref<1000x128xf32, #tpu.memory_space<vmem>> -> memref<128x128xf32, #tpu.memory_space<vmem>>
    tpu.wait_dma2 semaphore(%dma_wait3A_360 : memref<!tpu.dma_semaphore, #tpu.memory_space<semaphore_mem>>) src(%dma_wait3A_365 : memref<128x128xf32, #tpu.memory_space<vmem>>) dst(%dma_wait3A_362 : memref<128x128xf32, #tpu.memory_space<hbm>>)
    %dma_start3A_366 = arith.constant 0 : i32
    %dma_start3A_367 = arith.constant 0 : i32
    %dma_start3A_368 = arith.constant 0 : i32
    %dma_start3A_369 = tpu.memref_slice %arg8[%dma_start3A_367, %dma_start3A_368] : memref<1000x128xf32, #tpu.memory_space<vmem>> -> memref<24x128xf32, #tpu.memory_space<vmem>>
    %dma_start3A_370 = arith.constant 1000 : i32
    %dma_start3A_371 = tpu.memref_slice %arg7[%dma_start3A_370] : memref<1024xi32, #tpu.memory_space<vmem>> -> memref<24xi32, #tpu.memory_space<vmem>>
    %dma_start3A_372 = arith.constant 0 : i32
    %dma_start3A_373 = arith.constant 0 : i32
    %dma_start3A_374 = tpu.memref_slice %arg4[%dma_start3A_372, %dma_start3A_373] : memref<100000x128xf32, #tpu.memory_space<hbm>> -> memref<100000x128xf32, #tpu.memory_space<hbm>>
    %dma_start3A_375 = tpu.memref_slice %arg9[%dma_start3A_366] : memref<8x!tpu.dma_semaphore, #tpu.memory_space<semaphore_mem>> -> memref<1x!tpu.dma_semaphore, #tpu.memory_space<semaphore_mem>>
    %dma_start3A_376 = tpu.memref_squeeze %dma_start3A_375 : memref<1x!tpu.dma_semaphore, #tpu.memory_space<semaphore_mem>> -> memref<!tpu.dma_semaphore, #tpu.memory_space<semaphore_mem>>
    tpu.enqueue_indirect_dma source(%dma_start3A_374 : memref<100000x128xf32, #tpu.memory_space<hbm>>) target(%dma_start3A_369 : memref<24x128xf32, #tpu.memory_space<vmem>>) offsets(%dma_start3A_371 : memref<24xi32, #tpu.memory_space<vmem>>) semaphore(%dma_start3A_376 : memref<!tpu.dma_semaphore, #tpu.memory_space<semaphore_mem>>)
    %dma_wait3A_377 = arith.constant 0 : i32
    %dma_wait3A_378 = arith.constant 0 : i32
    %dma_wait3A_379 = arith.constant 0 : i32
    %dma_wait3A_380 = tpu.memref_slice %arg8[%dma_wait3A_378, %dma_wait3A_379] : memref<1000x128xf32, #tpu.memory_space<vmem>> -> memref<24x128xf32, #tpu.memory_space<vmem>>
    %dma_wait3A_381 = arith.constant 1000 : i32
    %dma_wait3A_382 = tpu.memref_slice %arg7[%dma_wait3A_381] : memref<1024xi32, #tpu.memory_space<vmem>> -> memref<24xi32, #tpu.memory_space<vmem>>
    %dma_wait3A_383 = arith.constant 0 : i32
    %dma_wait3A_384 = arith.constant 0 : i32
    %dma_wait3A_385 = tpu.memref_slice %arg4[%dma_wait3A_383, %dma_wait3A_384] : memref<100000x128xf32, #tpu.memory_space<hbm>> -> memref<100000x128xf32, #tpu.memory_space<hbm>>
    %dma_wait3A_386 = tpu.memref_slice %arg9[%dma_wait3A_377] : memref<8x!tpu.dma_semaphore, #tpu.memory_space<semaphore_mem>> -> memref<1x!tpu.dma_semaphore, #tpu.memory_space<semaphore_mem>>
    %dma_wait3A_387 = tpu.memref_squeeze %dma_wait3A_386 : memref<1x!tpu.dma_semaphore, #tpu.memory_space<semaphore_mem>> -> memref<!tpu.dma_semaphore, #tpu.memory_space<semaphore_mem>>
    tpu.wait_indirect_dma semaphore(%dma_wait3A_387 : memref<!tpu.dma_semaphore, #tpu.memory_space<semaphore_mem>>) src(%dma_wait3A_385 : memref<100000x128xf32, #tpu.memory_space<hbm>>) dst(%dma_wait3A_380 : memref<24x128xf32, #tpu.memory_space<vmem>>)
    %add3A_388 = arith.constant 488 : i32
    %add3A_389 = arith.addi %mul3A_2, %add3A_388 : i32
    %dma_start3A_390 = arith.constant 0 : i32
    %dma_start3A_391 = arith.constant 0 : i32
    %dma_start3A_392 = arith.constant 0 : i32
    %dma_start3A_393 = tpu.memref_slice %arg8[%dma_start3A_391, %dma_start3A_392] : memref<1000x128xf32, #tpu.memory_space<vmem>> -> memref<24x128xf32, #tpu.memory_space<vmem>>
    %dma_start3A_394 = arith.constant 0 : i32
    %dma_start3A_395 = tpu.memref_slice %arg6[%add3A_389, %dma_start3A_394] : memref<16384x128xf32, #tpu.memory_space<hbm>> -> memref<24x128xf32, #tpu.memory_space<hbm>>
    %dma_start3A_396 = tpu.memref_slice %arg10[%dma_start3A_390] : memref<8x!tpu.dma_semaphore, #tpu.memory_space<semaphore_mem>> -> memref<1x!tpu.dma_semaphore, #tpu.memory_space<semaphore_mem>>
    %dma_start3A_397 = tpu.memref_squeeze %dma_start3A_396 : memref<1x!tpu.dma_semaphore, #tpu.memory_space<semaphore_mem>> -> memref<!tpu.dma_semaphore, #tpu.memory_space<semaphore_mem>>
    %dma_start3A_398 = arith.constant 0 : i32
    %dma_start3A_399 = tpu.memref_slice %arg6[%add3A_389, %dma_start3A_398] : memref<16384x128xf32, #tpu.memory_space<hbm>> -> memref<24x128xf32, #tpu.memory_space<hbm>>
    %dma_start3A_400 = arith.constant 0 : i32
    %dma_start3A_401 = arith.constant 0 : i32
    %dma_start3A_402 = tpu.memref_slice %arg8[%dma_start3A_400, %dma_start3A_401] : memref<1000x128xf32, #tpu.memory_space<vmem>> -> memref<24x128xf32, #tpu.memory_space<vmem>>
    tpu.enqueue_dma source(%dma_start3A_402 : memref<24x128xf32, #tpu.memory_space<vmem>>) target(%dma_start3A_399 : memref<24x128xf32, #tpu.memory_space<hbm>>) target_semaphore(%dma_start3A_397 : memref<!tpu.dma_semaphore, #tpu.memory_space<semaphore_mem>>)
    %dma_wait3A_403 = arith.constant 0 : i32
    %dma_wait3A_404 = arith.constant 0 : i32
    %dma_wait3A_405 = arith.constant 0 : i32
    %dma_wait3A_406 = tpu.memref_slice %arg8[%dma_wait3A_404, %dma_wait3A_405] : memref<1000x128xf32, #tpu.memory_space<vmem>> -> memref<24x128xf32, #tpu.memory_space<vmem>>
    %dma_wait3A_407 = arith.constant 0 : i32
    %dma_wait3A_408 = tpu.memref_slice %arg6[%add3A_389, %dma_wait3A_407] : memref<16384x128xf32, #tpu.memory_space<hbm>> -> memref<24x128xf32, #tpu.memory_space<hbm>>
    %dma_wait3A_409 = tpu.memref_slice %arg10[%dma_wait3A_403] : memref<8x!tpu.dma_semaphore, #tpu.memory_space<semaphore_mem>> -> memref<1x!tpu.dma_semaphore, #tpu.memory_space<semaphore_mem>>
    %dma_wait3A_410 = tpu.memref_squeeze %dma_wait3A_409 : memref<1x!tpu.dma_semaphore, #tpu.memory_space<semaphore_mem>> -> memref<!tpu.dma_semaphore, #tpu.memory_space<semaphore_mem>>
    %dma_wait3A_411 = arith.constant 0 : i32
    %dma_wait3A_412 = tpu.memref_slice %arg6[%add3A_389, %dma_wait3A_411] : memref<16384x128xf32, #tpu.memory_space<hbm>> -> memref<24x128xf32, #tpu.memory_space<hbm>>
    %dma_wait3A_413 = arith.constant 0 : i32
    %dma_wait3A_414 = arith.constant 0 : i32
    %dma_wait3A_415 = tpu.memref_slice %arg8[%dma_wait3A_413, %dma_wait3A_414] : memref<1000x128xf32, #tpu.memory_space<vmem>> -> memref<24x128xf32, #tpu.memory_space<vmem>>
    tpu.wait_dma2 semaphore(%dma_wait3A_410 : memref<!tpu.dma_semaphore, #tpu.memory_space<semaphore_mem>>) src(%dma_wait3A_415 : memref<24x128xf32, #tpu.memory_space<vmem>>) dst(%dma_wait3A_412 : memref<24x128xf32, #tpu.memory_space<hbm>>)
    %dma_wait3A_416 = arith.constant 1 : i32
    %dma_wait3A_417 = arith.constant 128 : i32
    %dma_wait3A_418 = arith.constant 0 : i32
    %dma_wait3A_419 = tpu.memref_slice %arg8[%dma_wait3A_417, %dma_wait3A_418] : memref<1000x128xf32, #tpu.memory_space<vmem>> -> memref<128x128xf32, #tpu.memory_space<vmem>>
    %dma_wait3A_420 = arith.constant 0 : i32
    %dma_wait3A_421 = tpu.memref_slice %arg5[%add3A_161, %dma_wait3A_420] : memref<16384x128xf32, #tpu.memory_space<hbm>> -> memref<128x128xf32, #tpu.memory_space<hbm>>
    %dma_wait3A_422 = tpu.memref_slice %arg10[%dma_wait3A_416] : memref<8x!tpu.dma_semaphore, #tpu.memory_space<semaphore_mem>> -> memref<1x!tpu.dma_semaphore, #tpu.memory_space<semaphore_mem>>
    %dma_wait3A_423 = tpu.memref_squeeze %dma_wait3A_422 : memref<1x!tpu.dma_semaphore, #tpu.memory_space<semaphore_mem>> -> memref<!tpu.dma_semaphore, #tpu.memory_space<semaphore_mem>>
    %dma_wait3A_424 = arith.constant 0 : i32
    %dma_wait3A_425 = tpu.memref_slice %arg5[%add3A_161, %dma_wait3A_424] : memref<16384x128xf32, #tpu.memory_space<hbm>> -> memref<128x128xf32, #tpu.memory_space<hbm>>
    %dma_wait3A_426 = arith.constant 128 : i32
    %dma_wait3A_427 = arith.constant 0 : i32
    %dma_wait3A_428 = tpu.memref_slice %arg8[%dma_wait3A_426, %dma_wait3A_427] : memref<1000x128xf32, #tpu.memory_space<vmem>> -> memref<128x128xf32, #tpu.memory_space<vmem>>
    tpu.wait_dma2 semaphore(%dma_wait3A_423 : memref<!tpu.dma_semaphore, #tpu.memory_space<semaphore_mem>>) src(%dma_wait3A_428 : memref<128x128xf32, #tpu.memory_space<vmem>>) dst(%dma_wait3A_425 : memref<128x128xf32, #tpu.memory_space<hbm>>)
    %dma_wait3A_429 = arith.constant 2 : i32
    %dma_wait3A_430 = arith.constant 256 : i32
    %dma_wait3A_431 = arith.constant 0 : i32
    %dma_wait3A_432 = tpu.memref_slice %arg8[%dma_wait3A_430, %dma_wait3A_431] : memref<1000x128xf32, #tpu.memory_space<vmem>> -> memref<128x128xf32, #tpu.memory_space<vmem>>
    %dma_wait3A_433 = arith.constant 0 : i32
    %dma_wait3A_434 = tpu.memref_slice %arg5[%add3A_198, %dma_wait3A_433] : memref<16384x128xf32, #tpu.memory_space<hbm>> -> memref<128x128xf32, #tpu.memory_space<hbm>>
    %dma_wait3A_435 = tpu.memref_slice %arg10[%dma_wait3A_429] : memref<8x!tpu.dma_semaphore, #tpu.memory_space<semaphore_mem>> -> memref<1x!tpu.dma_semaphore, #tpu.memory_space<semaphore_mem>>
    %dma_wait3A_436 = tpu.memref_squeeze %dma_wait3A_435 : memref<1x!tpu.dma_semaphore, #tpu.memory_space<semaphore_mem>> -> memref<!tpu.dma_semaphore, #tpu.memory_space<semaphore_mem>>
    %dma_wait3A_437 = arith.constant 0 : i32
    %dma_wait3A_438 = tpu.memref_slice %arg5[%add3A_198, %dma_wait3A_437] : memref<16384x128xf32, #tpu.memory_space<hbm>> -> memref<128x128xf32, #tpu.memory_space<hbm>>
    %dma_wait3A_439 = arith.constant 256 : i32
    %dma_wait3A_440 = arith.constant 0 : i32
    %dma_wait3A_441 = tpu.memref_slice %arg8[%dma_wait3A_439, %dma_wait3A_440] : memref<1000x128xf32, #tpu.memory_space<vmem>> -> memref<128x128xf32, #tpu.memory_space<vmem>>
    tpu.wait_dma2 semaphore(%dma_wait3A_436 : memref<!tpu.dma_semaphore, #tpu.memory_space<semaphore_mem>>) src(%dma_wait3A_441 : memref<128x128xf32, #tpu.memory_space<vmem>>) dst(%dma_wait3A_438 : memref<128x128xf32, #tpu.memory_space<hbm>>)
    %dma_wait3A_442 = arith.constant 3 : i32
    %dma_wait3A_443 = arith.constant 384 : i32
    %dma_wait3A_444 = arith.constant 0 : i32
    %dma_wait3A_445 = tpu.memref_slice %arg8[%dma_wait3A_443, %dma_wait3A_444] : memref<1000x128xf32, #tpu.memory_space<vmem>> -> memref<128x128xf32, #tpu.memory_space<vmem>>
    %dma_wait3A_446 = arith.constant 0 : i32
    %dma_wait3A_447 = tpu.memref_slice %arg5[%add3A_235, %dma_wait3A_446] : memref<16384x128xf32, #tpu.memory_space<hbm>> -> memref<128x128xf32, #tpu.memory_space<hbm>>
    %dma_wait3A_448 = tpu.memref_slice %arg10[%dma_wait3A_442] : memref<8x!tpu.dma_semaphore, #tpu.memory_space<semaphore_mem>> -> memref<1x!tpu.dma_semaphore, #tpu.memory_space<semaphore_mem>>
    %dma_wait3A_449 = tpu.memref_squeeze %dma_wait3A_448 : memref<1x!tpu.dma_semaphore, #tpu.memory_space<semaphore_mem>> -> memref<!tpu.dma_semaphore, #tpu.memory_space<semaphore_mem>>
    %dma_wait3A_450 = arith.constant 0 : i32
    %dma_wait3A_451 = tpu.memref_slice %arg5[%add3A_235, %dma_wait3A_450] : memref<16384x128xf32, #tpu.memory_space<hbm>> -> memref<128x128xf32, #tpu.memory_space<hbm>>
    %dma_wait3A_452 = arith.constant 384 : i32
    %dma_wait3A_453 = arith.constant 0 : i32
    %dma_wait3A_454 = tpu.memref_slice %arg8[%dma_wait3A_452, %dma_wait3A_453] : memref<1000x128xf32, #tpu.memory_space<vmem>> -> memref<128x128xf32, #tpu.memory_space<vmem>>
    tpu.wait_dma2 semaphore(%dma_wait3A_449 : memref<!tpu.dma_semaphore, #tpu.memory_space<semaphore_mem>>) src(%dma_wait3A_454 : memref<128x128xf32, #tpu.memory_space<vmem>>) dst(%dma_wait3A_451 : memref<128x128xf32, #tpu.memory_space<hbm>>)
    %dma_wait3A_455 = arith.constant 4 : i32
    %dma_wait3A_456 = arith.constant 512 : i32
    %dma_wait3A_457 = arith.constant 0 : i32
    %dma_wait3A_458 = tpu.memref_slice %arg8[%dma_wait3A_456, %dma_wait3A_457] : memref<1000x128xf32, #tpu.memory_space<vmem>> -> memref<128x128xf32, #tpu.memory_space<vmem>>
    %dma_wait3A_459 = arith.constant 0 : i32
    %dma_wait3A_460 = tpu.memref_slice %arg6[%add3A_261, %dma_wait3A_459] : memref<16384x128xf32, #tpu.memory_space<hbm>> -> memref<128x128xf32, #tpu.memory_space<hbm>>
    %dma_wait3A_461 = tpu.memref_slice %arg10[%dma_wait3A_455] : memref<8x!tpu.dma_semaphore, #tpu.memory_space<semaphore_mem>> -> memref<1x!tpu.dma_semaphore, #tpu.memory_space<semaphore_mem>>
    %dma_wait3A_462 = tpu.memref_squeeze %dma_wait3A_461 : memref<1x!tpu.dma_semaphore, #tpu.memory_space<semaphore_mem>> -> memref<!tpu.dma_semaphore, #tpu.memory_space<semaphore_mem>>
    %dma_wait3A_463 = arith.constant 0 : i32
    %dma_wait3A_464 = tpu.memref_slice %arg6[%add3A_261, %dma_wait3A_463] : memref<16384x128xf32, #tpu.memory_space<hbm>> -> memref<128x128xf32, #tpu.memory_space<hbm>>
    %dma_wait3A_465 = arith.constant 512 : i32
    %dma_wait3A_466 = arith.constant 0 : i32
    %dma_wait3A_467 = tpu.memref_slice %arg8[%dma_wait3A_465, %dma_wait3A_466] : memref<1000x128xf32, #tpu.memory_space<vmem>> -> memref<128x128xf32, #tpu.memory_space<vmem>>
    tpu.wait_dma2 semaphore(%dma_wait3A_462 : memref<!tpu.dma_semaphore, #tpu.memory_space<semaphore_mem>>) src(%dma_wait3A_467 : memref<128x128xf32, #tpu.memory_space<vmem>>) dst(%dma_wait3A_464 : memref<128x128xf32, #tpu.memory_space<hbm>>)
    %dma_wait3A_468 = arith.constant 5 : i32
    %dma_wait3A_469 = arith.constant 640 : i32
    %dma_wait3A_470 = arith.constant 0 : i32
    %dma_wait3A_471 = tpu.memref_slice %arg8[%dma_wait3A_469, %dma_wait3A_470] : memref<1000x128xf32, #tpu.memory_space<vmem>> -> memref<128x128xf32, #tpu.memory_space<vmem>>
    %dma_wait3A_472 = arith.constant 0 : i32
    %dma_wait3A_473 = tpu.memref_slice %arg6[%add3A_287, %dma_wait3A_472] : memref<16384x128xf32, #tpu.memory_space<hbm>> -> memref<128x128xf32, #tpu.memory_space<hbm>>
    %dma_wait3A_474 = tpu.memref_slice %arg10[%dma_wait3A_468] : memref<8x!tpu.dma_semaphore, #tpu.memory_space<semaphore_mem>> -> memref<1x!tpu.dma_semaphore, #tpu.memory_space<semaphore_mem>>
    %dma_wait3A_475 = tpu.memref_squeeze %dma_wait3A_474 : memref<1x!tpu.dma_semaphore, #tpu.memory_space<semaphore_mem>> -> memref<!tpu.dma_semaphore, #tpu.memory_space<semaphore_mem>>
    %dma_wait3A_476 = arith.constant 0 : i32
    %dma_wait3A_477 = tpu.memref_slice %arg6[%add3A_287, %dma_wait3A_476] : memref<16384x128xf32, #tpu.memory_space<hbm>> -> memref<128x128xf32, #tpu.memory_space<hbm>>
    %dma_wait3A_478 = arith.constant 640 : i32
    %dma_wait3A_479 = arith.constant 0 : i32
    %dma_wait3A_480 = tpu.memref_slice %arg8[%dma_wait3A_478, %dma_wait3A_479] : memref<1000x128xf32, #tpu.memory_space<vmem>> -> memref<128x128xf32, #tpu.memory_space<vmem>>
    tpu.wait_dma2 semaphore(%dma_wait3A_475 : memref<!tpu.dma_semaphore, #tpu.memory_space<semaphore_mem>>) src(%dma_wait3A_480 : memref<128x128xf32, #tpu.memory_space<vmem>>) dst(%dma_wait3A_477 : memref<128x128xf32, #tpu.memory_space<hbm>>)
    %dma_wait3A_481 = arith.constant 6 : i32
    %dma_wait3A_482 = arith.constant 768 : i32
    %dma_wait3A_483 = arith.constant 0 : i32
    %dma_wait3A_484 = tpu.memref_slice %arg8[%dma_wait3A_482, %dma_wait3A_483] : memref<1000x128xf32, #tpu.memory_space<vmem>> -> memref<128x128xf32, #tpu.memory_space<vmem>>
    %dma_wait3A_485 = arith.constant 0 : i32
    %dma_wait3A_486 = tpu.memref_slice %arg6[%add3A_313, %dma_wait3A_485] : memref<16384x128xf32, #tpu.memory_space<hbm>> -> memref<128x128xf32, #tpu.memory_space<hbm>>
    %dma_wait3A_487 = tpu.memref_slice %arg10[%dma_wait3A_481] : memref<8x!tpu.dma_semaphore, #tpu.memory_space<semaphore_mem>> -> memref<1x!tpu.dma_semaphore, #tpu.memory_space<semaphore_mem>>
    %dma_wait3A_488 = tpu.memref_squeeze %dma_wait3A_487 : memref<1x!tpu.dma_semaphore, #tpu.memory_space<semaphore_mem>> -> memref<!tpu.dma_semaphore, #tpu.memory_space<semaphore_mem>>
    %dma_wait3A_489 = arith.constant 0 : i32
    %dma_wait3A_490 = tpu.memref_slice %arg6[%add3A_313, %dma_wait3A_489] : memref<16384x128xf32, #tpu.memory_space<hbm>> -> memref<128x128xf32, #tpu.memory_space<hbm>>
    %dma_wait3A_491 = arith.constant 768 : i32
    %dma_wait3A_492 = arith.constant 0 : i32
    %dma_wait3A_493 = tpu.memref_slice %arg8[%dma_wait3A_491, %dma_wait3A_492] : memref<1000x128xf32, #tpu.memory_space<vmem>> -> memref<128x128xf32, #tpu.memory_space<vmem>>
    tpu.wait_dma2 semaphore(%dma_wait3A_488 : memref<!tpu.dma_semaphore, #tpu.memory_space<semaphore_mem>>) src(%dma_wait3A_493 : memref<128x128xf32, #tpu.memory_space<vmem>>) dst(%dma_wait3A_490 : memref<128x128xf32, #tpu.memory_space<hbm>>)
    %dma_wait3A_494 = arith.constant 7 : i32
    %dma_wait3A_495 = arith.constant 896 : i32
    %dma_wait3A_496 = arith.constant 0 : i32
    %dma_wait3A_497 = tpu.memref_slice %arg8[%dma_wait3A_495, %dma_wait3A_496] : memref<1000x128xf32, #tpu.memory_space<vmem>> -> memref<104x128xf32, #tpu.memory_space<vmem>>
    %dma_wait3A_498 = arith.constant 0 : i32
    %dma_wait3A_499 = tpu.memref_slice %arg6[%add3A_339, %dma_wait3A_498] : memref<16384x128xf32, #tpu.memory_space<hbm>> -> memref<104x128xf32, #tpu.memory_space<hbm>>
    %dma_wait3A_500 = tpu.memref_slice %arg10[%dma_wait3A_494] : memref<8x!tpu.dma_semaphore, #tpu.memory_space<semaphore_mem>> -> memref<1x!tpu.dma_semaphore, #tpu.memory_space<semaphore_mem>>
    %dma_wait3A_501 = tpu.memref_squeeze %dma_wait3A_500 : memref<1x!tpu.dma_semaphore, #tpu.memory_space<semaphore_mem>> -> memref<!tpu.dma_semaphore, #tpu.memory_space<semaphore_mem>>
    %dma_wait3A_502 = arith.constant 0 : i32
    %dma_wait3A_503 = tpu.memref_slice %arg6[%add3A_339, %dma_wait3A_502] : memref<16384x128xf32, #tpu.memory_space<hbm>> -> memref<104x128xf32, #tpu.memory_space<hbm>>
    %dma_wait3A_504 = arith.constant 896 : i32
    %dma_wait3A_505 = arith.constant 0 : i32
    %dma_wait3A_506 = tpu.memref_slice %arg8[%dma_wait3A_504, %dma_wait3A_505] : memref<1000x128xf32, #tpu.memory_space<vmem>> -> memref<104x128xf32, #tpu.memory_space<vmem>>
    tpu.wait_dma2 semaphore(%dma_wait3A_501 : memref<!tpu.dma_semaphore, #tpu.memory_space<semaphore_mem>>) src(%dma_wait3A_506 : memref<104x128xf32, #tpu.memory_space<vmem>>) dst(%dma_wait3A_503 : memref<104x128xf32, #tpu.memory_space<hbm>>)
    return
  }
}

</mosaic_0001>

<sc_bundles>
// kernel: kernel.3.cloned.1.call-start
scs
__scs_entry_jumppad:
0x0: {  	(pc) =	sbr.rel $0x88, $3  }
0x1: {  	(tag) =	ssettag $0x0;
	lr =	simm.s32 $0x1  }
0x2: {  	[smem:$0x3F9D] =	sst lr;
	_ =	strace $0xD0000000  }
0x3: {  	_ = 	snop  }
0x4: {  	_ = 	snop  }
0x5: {  	_ = 	snop  }
0x6: {  	_ = 	snop  }
0x7: {  	_ = 	snop  }
__scs_overlays_trampoline_lowered:
0x8: {  	[smem:$0x3FAC] =	sst s0  }
0x9: {  	[smem:$0x3FAD] =	sst s1  }
0xa: {  	[smem:$0x3FAE] =	sst s2  }
0xb: {  	[smem:$0x3FAF] =	sst s3  }
0xc: {  	[smem:$0x3FB0] =	sst s4  }
0xd: {  	[smem:$0x3FB1] =	sst s5  }
0xe: {  	[smem:$0x3FB2] =	sst s6  }
0xf: {  	[smem:$0x3FB3] =	sst s7  }
0x10: {  	[smem:$0x3FB4] =	sst s8  }
0x11: {  	[smem:$0x3FB5] =	sst s9;
	s0 =	simm.s32 @!p0 $0x0  }
0x12: {  	s1 =	sld [smem:$0x3F9B];
	s0 =	simm.s32 @p0 $0x1  }
0x13: {  	[smem:$0x3FB6] =	sst s0;
	s0 =	simm.s32 @!p1 $0x0  }
0x14: {  	s2 =	sld [smem:$0x3F9A];
	s0 =	simm.s32 @p1 $0x1  }
0x15: {  	[smem:$0x3FB7] =	sst s0;
	s0 =	simm.s32 @!p2 $0x0  }
0x16: {  	s3 =	sld [smem:$0x3FDB];
	s0 =	simm.s32 @p2 $0x1  }
0x17: {  	s4 =	simm.s32 $0x1BF5;
	[smem:$0x3FB9] =	sst s0  }
0x18: {  	s0 =	sld [smem:$0x3F9C];
	_ =	swait.ge [sflag:s4], $0x0  }
0x19: {  	s7 =	sld [smem:$0x3F9D]  }
0x1a: {  	s8 =	sadd.s32 $0xFFFFE003, lr  }
0x1b: {  	s9 =	sadd.s32 $0xFFFFFEF7, lr;
	s5 =	simm.s32 $0xFFFFFFFF;
	p2 =	slt.u32 s8, $0xFFFFF086  }
0x1c: {  	p1 =	slt.u32 s9, $0xF7A;
	s5 =	simm.s32 @!p2 $0x0  }
0x1d: {  	s5 =	simm.s32 @p1 $0x1;
	p0 =	seq.s32 s7, s2  }
0x1e: {  	s7 =	smul.u32 @!p0 $0xF7A, s2;
	p2 =	seq.s32 @!p0 s5, $0x0  }
0x1f: {  	s9 =	smul.u32 $0xF7A, s1;
	s8 =	simm.s32 @!p0 $0x1BF5;
	p2 =	por !p2, p0  }
0x20: {  	[sflag:s8] =	ssyncset.s32 @!p0 $0xFFFFF086;
	s6 =	sadd.s32 @!p0 s3, s7;
	s7 =	simm.s32 @!p0 $0x108  }
0x21: {  	s3 =	sadd.s32 s3, s9;
	s6 =	sadd.s32 @!p0 $0x88, s6;
	s7 =	simm.s32 @p2 $0x1082  }
0x22: {  	[simem:s7], [sflag:s8] =	dma.local @!p0 [hbm:s6], $0xF7A  }
0x23: {  	s9 =	sor.u32 $0xD0000000, s2;
	s6 =	simm.s32 $0x108;
	_ =	swait.ge @!p0 [sflag:s8], $0x0  }
0x24: {  	s3 =	sadd.s32 $0x88, s3;
	s6 =	simm.s32 @!p1 $0x1082;
	[sflag:s4] =	ssyncset.s32 $0xFFFFF086  }
0x25: {  	[simem:s6], [sflag:s4] =	dma.local [hbm:s3], $0xF7A  }
0x26: {  	[smem:$0x3F9D] =	sst s1;
	(tag) =	ssettag s2;
	_ =	strace s9  }
0x27: {  	s1 =	sld [smem:$0x3FAD]  }
0x28: {  	s2 =	sld [smem:$0x3FAE]  }
0x29: {  	s4 =	sld [smem:$0x3FB0]  }
0x2a: {  	p0 =	seq.s32 s5, $0x0;
	s5 =	sld [smem:$0x3FB1]  }
0x2b: {  	s6 =	sld [smem:$0x3FB2]  }
0x2c: {  	s7 =	sld [smem:$0x3FB3]  }
0x2d: {  	s3 =	simm.s32 $0x108;
	s8 =	sld [smem:$0x3FB4]  }
0x2e: {  	s3 =	simm.s32 @!p0 $0x1082;
	s9 =	sld [smem:$0x3FB5]  }
0x2f: {  	lr =	sadd.s32 s0, s3;
	s0 =	sld [smem:$0x3FAC]  }
0x30: {  	s3 =	sld [smem:$0x3FAF]  }
0x31: {  	[smem:$0x3FB8] =	sst s10  }
0x32: {  	s10 =	sld [smem:$0x3FB6];
	_ =	sdelay $0x3  }
0x33: {  	p0 =	seq.s32 s10, $0x1;
	s10 =	sld [smem:$0x3FB8];
	_ =	sdelay $0x3  }
0x34: {  	[smem:$0x3FB8] =	sst s10  }
0x35: {  	s10 =	sld [smem:$0x3FB7];
	_ =	sdelay $0x3  }
0x36: {  	p1 =	seq.s32 s10, $0x1;
	s10 =	sld [smem:$0x3FB8];
	_ =	sdelay $0x3  }
0x37: {  	[smem:$0x3FB8] =	sst s10  }
0x38: {  	s10 =	sld [smem:$0x3FB9]  }
0x39: {  	_ = 	snop;
	(pc) =	sbr.ind lr, $3  }
0x3a: {  	_ = 	snop  }
0x3b: {  	_ = 	snop  }
0x3c: {  	p2 =	seq.s32 s10, $0x1;
	s10 =	sld [smem:$0x3FB8]  }
0x3d: {  	_ =	shalt  }
0x3e: {  	_ =	shalt  }
0x3f: {  	_ =	shalt  }
0x40: {  	_ =	shalt  }
0x41: {  	_ =	shalt  }
0x42: {  	_ =	shalt  }
0x43: {  	_ =	shalt  }
0x44: {  	_ =	shalt  }
0x45: {  	_ =	shalt  }
0x46: {  	_ =	shalt  }
0x47: {  	_ =	shalt  }
0x48: {  	_ =	shalt  }
0x49: {  	_ =	shalt  }
0x4a: {  	_ =	shalt  }
0x4b: {  	_ =	shalt  }
0x4c: {  	_ =	shalt  }
0x4d: {  	_ =	shalt  }
0x4e: {  	_ =	shalt  }
0x4f: {  	_ =	shalt  }
0x50: {  	_ =	shalt  }
0x51: {  	_ =	shalt  }
0x52: {  	_ =	shalt  }
0x53: {  	_ =	shalt  }
0x54: {  	_ =	shalt  }
0x55: {  	_ =	shalt  }
0x56: {  	_ =	shalt  }
0x57: {  	_ =	shalt  }
0x58: {  	_ =	shalt  }
0x59: {  	_ =	shalt  }
0x5a: {  	_ =	shalt  }
0x5b: {  	_ =	shalt  }
0x5c: {  	_ =	shalt  }
0x5d: {  	_ =	shalt  }
0x5e: {  	_ =	shalt  }
0x5f: {  	_ =	shalt  }
0x60: {  	_ =	shalt  }
0x61: {  	_ =	shalt  }
0x62: {  	_ =	shalt  }
0x63: {  	_ =	shalt  }
0x64: {  	_ =	shalt  }
0x65: {  	_ =	shalt  }
0x66: {  	_ =	shalt  }
0x67: {  	_ =	shalt  }
0x68: {  	_ =	shalt  }
0x69: {  	_ =	shalt  }
0x6a: {  	_ =	shalt  }
0x6b: {  	_ =	shalt  }
0x6c: {  	_ =	shalt  }
0x6d: {  	_ =	shalt  }
0x6e: {  	_ =	shalt  }
0x6f: {  	_ =	shalt  }
0x70: {  	_ =	shalt  }
0x71: {  	_ =	shalt  }
0x72: {  	_ =	shalt  }
0x73: {  	_ =	shalt  }
0x74: {  	_ =	shalt  }
0x75: {  	_ =	shalt  }
0x76: {  	_ =	shalt  }
0x77: {  	_ =	shalt  }
0x78: {  	_ =	shalt  }
0x79: {  	_ =	shalt  }
0x7a: {  	_ =	shalt  }
0x7b: {  	_ =	shalt  }
0x7c: {  	_ =	shalt  }
0x7d: {  	_ =	shalt  }
0x7e: {  	_ =	shalt  }
0x7f: {  	_ =	shalt  }
0x80: {  	_ =	shalt  }
0x81: {  	_ =	shalt  }
0x82: {  	_ =	shalt  }
0x83: {  	_ =	shalt  }
0x84: {  	_ =	shalt  }
0x85: {  	_ =	shalt  }
0x86: {  	_ =	shalt  }
0x87: {  	_ =	shalt  }
.Lfunc_end0:
.L_simem_size_0:
called_computation_lowered:
.L_overlay_start_0:
0x88: {  	s2 =	sld [smem:$0x3FD9]  }
0x89: {  	s3 =	sld [smem:$0x3FFE];
	_ =	sdelay $0x1  }
0x8a: {  	s1 =	srdreg.scid  }
0x8b: {  	s0 =	sand.u32 $0x1, s1  }
0x8c: {  	s14 =	sshll.u32 s0, $0xA;
	s2 =	sadd.s32 s3, s2  }
0x8d: {  	s2 =	sadd.s32 s2, s14  }
0x8e: {  	[smem:$0x3FC4] =	sst s2  }
0x8f: {  	_ = 	snop  }
0x90: {  	s2 =	sld [smem:$0x3FD0];
	_ =	sdelay $0x1  }
0x91: {  	s15 =	sld [smem:$0x3FC7]  }
0x92: {  	s5 =	simm.s32 $0xA;
	s6 =	simm.s32 $0x10;
	s4 =	sld [smem:$0x3FC6]  }
0x93: {  	[smem:s6], [sflag:s5] =	dma.local [hbm:s2], $0x1  }
0x94: {  	_ =	swait.eq [sflag:s5], $0x1  }
0x95: {  	[sflag:s5] =	ssyncset.done $0x0  }
0x96: {  	s16 =	sld [smem:$0x10];
	[sflag:s5] =	ssyncadd.s32 $0xFFFFFFFF  }
0x97: {  	s17 =	sld [smem:$0x11];
	(tm) =	ssettm $0x1  }
0x98: {  	s18 =	sld [smem:$0x3FFB];
	_ =	sdelay $0x3  }
0x99: {  	_ =	strace s18  }
0x9a: {  	s6 =	sld [smem:$0x3FFC];
	_ =	sdelay $0x3  }
0x9b: {  	_ =	strace s6  }
0x9c: {  	s6 =	sld [smem:$0x3FFD];
	_ =	sdelay $0x3  }
0x9d: {  	_ =	strace s6  }
0x9e: {  	_ =	strace $0x8FFFFFFF  }
0x9f: {  	s19 =	sld [smem:$0x3FDB];
	_ =	sdelay $0x1  }
0xa0: {  	s7 =	simm.s32 $_scs_section_size  }
0xa1: {  	s8 =	simm.s32 $_size__tile_overlayer_lowered;
	s9 =	simm.s32 $_tile_overlayer_lowered  }
0xa2: {  	s22 =	simm.s32 $0x1BFF;
	s21 =	sshll.u32 s9, $0x1;
	s6 =	sadd.s32 s7, s19  }
0xa3: {  	s10 =	simm.s32 $0x0;
	s20 =	sshll.u32 s8, $0x1;
	s8 =	sadd.s32 s21, s6  }
0xa4: {  	[timem:s10], [sflag:s22] =	dma.local [hbm:s8], s20  }
0xa5: {  	_ =	swait.ge [sflag:s22], s20  }
0xa6: {  	s7 =	ssub.s32 $0x0, s20;
	[sflag:s22] =	ssyncset.done $0x0  }
0xa7: {  	[sflag:s22] =	ssyncadd.s32 s7;
	_ =	sdelay $0x1  }
0xa8: {  	s23 =	simm.s32 $0x1B8B  }
0xa9: {  	_ =	swait.ge [sflag:s23], $0x1  }
0xaa: {  	[sflag:s23] =	ssyncset.done $0x0  }
0xab: {  	s25 =	simm.s32 $0x1B8E;
	s24 =	sld [smem:$0x3FFE];
	[sflag:s23] =	ssyncadd.s32 $0xFFFFFFFF  }
0xac: {  	s26 =	simm.s32 $execute0_lowered;
	[smem:$0x3FD2] =	sst s25  }
0xad: {  	s8 =	sshll.u32 s26, $0x1;
	_ =	strace $0x80000046;
	[dreg:$0x1] =	wrdreg $0xFFFFFFFF  }
0xae: {  	s28 =	simm.s32 $_size_execute0_lowered;
	s6 =	sadd.s32 s6, s8;
	[dreg:$0x0] =	wrdreg $0x0  }
0xaf: {  	s8 =	sshll.u32 s28, $0x1;
	[dreg:$0x2] =	wrdreg s6  }
0xb0: {  	[dreg:$0x3] =	wrdreg s8  }
0xb1: {  	[dreg:$0x4] =	wrdreg $0xC0  }
0xb2: {  	_ =	task [dreg:s10], $0x5FFFF  }
0xb3: {  	[dreg:$0x1] =	wrdreg $0xFFFFFFFF  }
0xb4: {  	[dreg:$0x0] =	wrdreg $0x60  }
0xb5: {  	[dreg:$0x2] =	wrdreg s24  }
0xb6: {  	[dreg:$0x3] =	wrdreg s15  }
0xb7: {  	[dreg:$0x4] =	wrdreg s4  }
0xb8: {  	[dreg:$0x5] =	wrdreg s16  }
0xb9: {  	[dreg:$0x6] =	wrdreg s17  }
0xba: {  	[dreg:$0x7] =	wrdreg $0x9  }
0xbb: {  	_ =	task.clear_ibuf [dreg:s10], $0x8FFFF;
	_ =	strace $0x90000046  }
0xbc: {  	s29 =	simm.s32 $0x9;
	_ =	strace $0x80000048  }
0xbd: {  	_ =	swait.ge [sflag:s29], $0x1  }
0xbe: {  	[sflag:s29] =	ssyncadd.s32 $0xFFFFFFFF  }
0xbf: {  	_ =	strace $0x90000048  }
0xc0: {  	_ =	sfence  }
0xc1: {  	s30 =	sld [smem:$0x0];
	_ =	sdelay $0x2  }
0xc2: {  	s31 =	sshll.u32 s1, $0xD;
	s1 =	sshrl.u32 s1, $0x2  }
0xc3: {  	s3 =	sand.u32 $0x4000, s31;
	s1 =	sadd.s32 s1, s30  }
0xc4: {  	s0 =	sor.u32 s3, s0;
	s1 =	sshll.u32 s1, $0x11  }
0xc5: {  	s0 =	sor.u32 s1, s0  }
0xc6: {  	s0 =	sadd.s32 $0x8F2B, s0  }
0xc7: {  	[sflag:s0] =	ssyncadd.remote.s32 $0x1  }
0xc8: {  	_ =	sfence.sel $0xFFFF  }
0xc9: {  	[dreg:$0x0] =	wrdreg $0xFFFFFFFF;
	(pc) =	sbr.abs _section_cstart, $3  }
0xca: {  	[dreg:$0x1] =	wrdreg $0xFFFFFFFF  }
0xcb: {  	_ =	task.clear_ibuf [dreg:s10], $0x2FFFF;
	_ =	strace $0x9FFFFFFF  }
0xcc: {  	(tm) =	ssettm $0x7FFFFFFF  }
0xcd: {  	_ =	shalt  }
tec
execute0_lowered:
.L_overlay_start_1:
0x0: {  	(tag) =	ssettag $0x1  }
0x1: {  	s0 =	rddreg [dreg:$0x0]  }
0x2: {  	s8 =	rddreg [dreg:$0x1]  }
0x3: {  	s2 =	rddreg [dreg:$0x2]  }
0x4: {  	s1 =	srdreg.scid;
	s5 =	rddreg [dreg:$0x3]  }
0x5: {  	s6 =	stileid.u32;
	s7 =	rddreg [dreg:$0x4]  }
0x6: {  	s30 =	simm.s32 $0x200;
	s11 =	simm.s32 $0x100;
	s12 =	simm.s32 $0x180  }
0x7: {  	s13 =	simm.s32 $0x280;
	s16 =	simm.s32 $0x14400;
	s14 =	simm.s32 $0x300  }
0x8: {  	s15 =	simm.s32 $0x68;
	s31 =	simm.s32 $0x3;
	s29 =	simm.s32 $0x4  }
0x9: {  	s28 =	simm.s32 $0x5;
	s1 =	sand.u32 $0x1, s1;
	s3 =	sshll.u32 s6, $0x1  }
0xa: {  	p0 =	por $0x0, $0x0;
	s4 =	sor.u32 s1, s3;
	s3 =	simm.s32 $0x0  }
0xb: {  	s17 =	sshll.u32 s6, $0x7;
	s18 =	sshll.u32 s4, $0x4;
	[smem:$0x7FF] =	sst s3  }
0xc: {  	s1 =	ssub.s32 $0x2, s1;
	s6 =	sor.u32 s17, s18;
	s17 =	rddreg [dreg:$0x5]  }
0xd: {  	s4 =	sshll.u32 s4, $0xD;
	_ =	strace $0x80000047;
	[dreg:$0x10] =	wrdreg s11  }
0xe: {  	s25 =	sshrl.u32 s1, $0x1;
	s19 =	sadd.s32 s5, s4;
	[dreg:$0x11] =	wrdreg s12  }
0xf: {  	s20 =	sor.u32 $0x800, s4;
	s9 =	sor.u32 $0x1000, s4;
	[dreg:$0x12] =	wrdreg s13  }
0x10: {  	s10 =	sor.u32 $0x1800, s4;
	s4 =	sadd.s32 s7, s4;
	[dreg:$0x13] =	wrdreg s14  }
0x11: {  	s1 =	ssub.s32 s1, s25;
	[dreg:$0x14] =	wrdreg s15;
	s18 =	simm.s32 $0x380  }
0x12: {  	s25 =	simm.s32 $0x3E8;
	s15 =	simm.s32 $0xB;
	s14 =	simm.s32 $0xC  }
0x13: {  	s13 =	simm.s32 $0xD;
	s12 =	simm.s32 $0xE;
	[dreg:$0x8] =	wrdreg s19  }
0x14: {  	s11 =	simm.s32 $0xF;
	s6 =	sand.u32 $0x670, s6;
	[dreg:$0x18] =	wrdreg s4  }
0x15: {  	s21 =	sadd.s32 s5, s20;
	s22 =	sadd.s32 s5, s9;
	[dreg:$0x15] =	wrdreg s18  }
0x16: {  	s23 =	sadd.s32 s5, s10;
	s24 =	sadd.s32 s7, s20;
	[dreg:$0x17] =	wrdreg s25  }
0x17: {  	s26 =	sadd.s32 s7, s9;
	s9 =	smax.u32 s1, $0x1;
	[dreg:$0x9] =	wrdreg s21  }
0x18: {  	s5 =	simm.s32 $0x400;
	s20 =	simm.s32 $0xC400;
	[dreg:$0xa] =	wrdreg s22  }
0x19: {  	s19 =	simm.s32 $0x10400;
	s1 =	simm.s32 $0x2;
	[dreg:$0xb] =	wrdreg s23  }
0x1a: {  	s18 =	simm.s32 $0x1C400;
	s25 =	simm.s32 $0x7;
	[dreg:$0xc] =	wrdreg s24  }
0x1b: {  	s0 =	sadd.s32 s6, s0;
	[dreg:$0xd] =	wrdreg s26;
	s21 =	simm.s32 $0x80  }
0x1c: {  	s23 =	simm.s32 $0x4400;
	s22 =	simm.s32 $0x8400;
	s24 =	simm.s32 $0x18  }
0x1d: {  	p1 =	sne.s32 s9, $0x1;
	s6 =	sadd.s32 $0x600, s0;
	[dreg:$0x16] =	wrdreg s24  }
.Ltmp0:
0x1e: {  	s0 =	sadd.s32 $0xE00, s0;
	[dreg:$0x6] =	wrdreg s6;
	(pc) =	sbr.rel @!p1 .LBB2_5-.Ltmp0, $4  }
0x1f: {  	s26 =	simm.s32 $0x6;
	s24 =	simm.s32 $0x8;
	[dreg:$0x7] =	wrdreg s0  }
0x20: {  	s6 =	sadd.s32 s7, s10;
	s7 =	sadd.s32 $0x1E80, s4;
	s4 =	simm.s32 $0x9  }
0x21: {  	s0 =	sadd.s32 $0xFFFFFFFF, s9;
	s10 =	simm.s32 $0x10;
	[dreg:$0xe] =	wrdreg s6  }
0x22: {  	[dreg:$0xf] =	wrdreg s7;
	s6 =	simm.s32 $0xA;
	s7 =	simm.s32 $0x1  }
0x23: {  	[dreg:$0x1a] =	wrdreg s0  }
0x24: {  	s17 =	rddreg [dreg:$0x6]  }
0x25: {  	[tilespmem:s3], [sflag:$0x9] =	stream.strided.gather [hbm4b:s17+s21], $0x200, s5, s21, $0x38;
	[tilespmem:$0x1F800] =	vst v63  }
0x26: {  	s9 =	rddreg [dreg:$0x7]  }
0x27: {  	[tilespmem:s30], [sflag:$0xA] =	stream.strided.gather [hbm4b:s9+s21], $0x200, s5, s21, $0x38;
	[tilespmem:$0x1F800] =	vst v63  }
0x28: {  	_ =	swait.ge [sflag:s4], $0x200  }
0x29: {  	[sflag:s4] =	ssyncset.done $0x0  }
0x2a: {  	[sflag:s4] =	ssyncadd.s32 $0xFFFFFE00  }
0x2b: {  	[tilespmem:s5], [sflag:$0x1] =	stream.indirect.gather [hbm4b:s8+s21], $0x80, s3, s21, $0xb8;
	[tilespmem:$0x1F800] =	vst v63  }
0x2c: {  	_ = 	snop  }
0x2d: {  	[tilespmem:s23], [sflag:$0x2] =	stream.indirect.gather [hbm4b:s8+s21], $0x80, s21, s21, $0xb8;
	[tilespmem:$0x1F800] =	vst v63  }
0x2e: {  	s0 =	rddreg [dreg:$0x10]  }
0x2f: {  	[tilespmem:s22], [sflag:$0x3] =	stream.indirect.gather [hbm4b:s8+s21], $0x80, s0, s21, $0xb8;
	[tilespmem:$0x1F800] =	vst v63  }
0x30: {  	s17 =	rddreg [dreg:$0x11]  }
0x31: {  	[tilespmem:s20], [sflag:$0x4] =	stream.indirect.gather [hbm4b:s8+s21], $0x80, s17, s21, $0xb8;
	[tilespmem:$0x1F800] =	vst v63  }
0x32: {  	_ =	swait.ge [sflag:s6], $0x200  }
0x33: {  	[sflag:s6] =	ssyncset.done $0x0  }
0x34: {  	[sflag:s6] =	ssyncadd.s32 $0xFFFFFE00  }
0x35: {  	[tilespmem:s19], [sflag:$0x5] =	stream.indirect.gather [hbm4b:s2+s21], $0x80, s30, s21, $0xb8;
	[tilespmem:$0x1F800] =	vst v63  }
0x36: {  	_ =	swait.ge [sflag:s7], $0x4000  }
0x37: {  	[sflag:s7] =	ssyncset.done $0x0  }
0x38: {  	s0 =	rddreg [dreg:$0x8];
	[sflag:s7] =	ssyncadd.s32 $0xFFFFC000  }
0x39: {  	[hbm4b:s0+s3] =	stream.linear.scatter [tilespmem:s5], [sflag:$0x9], $0x4000, $0x38;
	[tilespmem:$0x1F800] =	vst v63  }
0x3a: {  	s17 =	rddreg [dreg:$0x12]  }
0x3b: {  	[tilespmem:s16], [sflag:$0x6] =	stream.indirect.gather [hbm4b:s2+s21], $0x80, s17, s21, $0xb8;
	[tilespmem:$0x1F800] =	vst v63  }
0x3c: {  	_ =	swait.ge [sflag:s1], $0x4000  }
0x3d: {  	[sflag:s1] =	ssyncset.done $0x0  }
0x3e: {  	s0 =	rddreg [dreg:$0x9];
	[sflag:s1] =	ssyncadd.s32 $0xFFFFC000  }
0x3f: {  	[hbm4b:s0+s3] =	stream.linear.scatter [tilespmem:s23], [sflag:$0xA], $0x4000, $0x38;
	[tilespmem:$0x1F800] =	vst v63  }
0x40: {  	s9 =	simm.s32 $0x18400;
	s17 =	rddreg [dreg:$0x13]  }
0x41: {  	[tilespmem:s9], [sflag:$0x7] =	stream.indirect.gather [hbm4b:s2+s21], $0x80, s17, s21, $0xb8;
	[tilespmem:$0x1F800] =	vst v63  }
0x42: {  	_ =	swait.ge [sflag:s31], $0x4000  }
0x43: {  	s17 =	rddreg [dreg:$0xa]  }
0x44: {  	s0 =	rddreg [dreg:$0x14]  }
0x45: {  	[dreg:$0x19] =	wrdreg s17  }
0x46: {  	s17 =	rddreg [dreg:$0x15]  }
0x47: {  	[sflag:s31] =	ssyncset.done $0x0;
	[dreg:$0x1b] =	wrdreg s17  }
0x48: {  	[sflag:s31] =	ssyncadd.s32 $0xFFFFC000;
	s17 =	rddreg [dreg:$0x19]  }
0x49: {  	[hbm4b:s17+s3] =	stream.linear.scatter [tilespmem:s22], [sflag:$0xB], $0x4000, $0x38;
	[tilespmem:$0x1F800] =	vst v63  }
0x4a: {  	s17 =	rddreg [dreg:$0x1b]  }
0x4b: {  	[tilespmem:s18], [sflag:$0x8] =	stream.indirect.gather [hbm4b:s2+s0], $0x80, s17, s0, $0xb8;
	[tilespmem:$0x1F800] =	vst v63  }
0x4c: {  	_ =	swait.ge [sflag:s29], $0x4000  }
0x4d: {  	[sflag:s29] =	ssyncset.done $0x0  }
0x4e: {  	s17 =	rddreg [dreg:$0xb];
	[sflag:s29] =	ssyncadd.s32 $0xFFFFC000  }
0x4f: {  	[hbm4b:s17+s3] =	stream.linear.scatter [tilespmem:s20], [sflag:$0xC], $0x4000, $0x38;
	[tilespmem:$0x1F800] =	vst v63  }
0x50: {  	_ =	swait.ge [sflag:s28], $0x4000  }
0x51: {  	[sflag:s28] =	ssyncset.done $0x0  }
0x52: {  	s17 =	rddreg [dreg:$0x18];
	[sflag:s28] =	ssyncadd.s32 $0xFFFFC000  }
0x53: {  	[hbm4b:s17+s3] =	stream.linear.scatter [tilespmem:s19], [sflag:$0xD], $0x4000, $0x38;
	[tilespmem:$0x1F800] =	vst v63  }
0x54: {  	_ =	swait.ge [sflag:s26], $0x4000  }
0x55: {  	[sflag:s26] =	ssyncset.done $0x0  }
0x56: {  	s17 =	rddreg [dreg:$0xc];
	[sflag:s26] =	ssyncadd.s32 $0xFFFFC000  }
0x57: {  	[hbm4b:s17+s3] =	stream.linear.scatter [tilespmem:s16], [sflag:$0xE], $0x4000, $0x38;
	[tilespmem:$0x1F800] =	vst v63  }
0x58: {  	_ =	swait.ge [sflag:s25], $0x4000  }
0x59: {  	[sflag:s25] =	ssyncset.done $0x0  }
0x5a: {  	s17 =	rddreg [dreg:$0xd];
	[sflag:s25] =	ssyncadd.s32 $0xFFFFC000  }
0x5b: {  	[hbm4b:s17+s3] =	stream.linear.scatter [tilespmem:s9], [sflag:$0xF], $0x4000, $0x38;
	[tilespmem:$0x1F800] =	vst v63  }
0x5c: {  	_ =	swait.ge [sflag:s24], $0x3400  }
0x5d: {  	[sflag:s24] =	ssyncset.done $0x0  }
0x5e: {  	s9 =	rddreg [dreg:$0xe];
	[sflag:s24] =	ssyncadd.s32 $0xFFFFCC00  }
0x5f: {  	[hbm4b:s9+s3] =	stream.linear.scatter [tilespmem:s18], [sflag:$0x10], $0x3400, $0x38;
	[tilespmem:$0x1F800] =	vst v63  }
0x60: {  	_ =	swait.ge [sflag:s4], $0x4000  }
0x61: {  	s16 =	rddreg [dreg:$0x16];
	[sflag:s4] =	ssyncset.done $0x0  }
0x62: {  	s17 =	rddreg [dreg:$0x17];
	[sflag:s4] =	ssyncadd.s32 $0xFFFFC000  }
0x63: {  	[tilespmem:s5], [sflag:$0x1] =	stream.indirect.gather [hbm4b:s2+s16], $0x80, s17, s16, $0xb8;
	[tilespmem:$0x1F800] =	vst v63  }
0x64: {  	_ =	swait.ge [sflag:s7], $0xC00  }
0x65: {  	[sflag:s7] =	ssyncset.done $0x0  }
0x66: {  	s16 =	rddreg [dreg:$0xf];
	[sflag:s7] =	ssyncadd.s32 $0xFFFFF400  }
0x67: {  	[hbm4b:s16+s3] =	stream.linear.scatter [tilespmem:s5], [sflag:$0x9], $0xC00, $0x38;
	[tilespmem:$0x1F800] =	vst v63  }
0x68: {  	_ =	swait.ge [sflag:s4], $0xC00  }
0x69: {  	[sflag:s4] =	ssyncset.done $0x0  }
0x6a: {  	[sflag:s4] =	ssyncadd.s32 $0xFFFFF400  }
0x6b: {  	_ =	swait.ge [sflag:s6], $0x4000  }
0x6c: {  	[sflag:s6] =	ssyncset.done $0x0  }
0x6d: {  	[sflag:s6] =	ssyncadd.s32 $0xFFFFC000  }
0x6e: {  	_ =	swait.ge [sflag:s15], $0x4000  }
0x6f: {  	[sflag:s15] =	ssyncset.done $0x0  }
0x70: {  	[sflag:s15] =	ssyncadd.s32 $0xFFFFC000  }
0x71: {  	_ =	swait.ge [sflag:s14], $0x4000  }
0x72: {  	[sflag:s14] =	ssyncset.done $0x0  }
0x73: {  	[sflag:s14] =	ssyncadd.s32 $0xFFFFC000  }
0x74: {  	_ =	swait.ge [sflag:s13], $0x4000  }
0x75: {  	[sflag:s13] =	ssyncset.done $0x0  }
0x76: {  	[sflag:s13] =	ssyncadd.s32 $0xFFFFC000  }
0x77: {  	_ =	swait.ge [sflag:s12], $0x4000  }
0x78: {  	[sflag:s12] =	ssyncset.done $0x0  }
0x79: {  	[sflag:s12] =	ssyncadd.s32 $0xFFFFC000  }
0x7a: {  	_ =	swait.ge [sflag:s11], $0x4000  }
0x7b: {  	s17 =	rddreg [dreg:$0x1a]  }
0x7c: {  	p1 =	sne.s32 s17, $0x1  }
.Ltmp1:
0x7d: {  	_ = 	snop;
	(pc) =	sbr.rel @!p1 .LBB2_2-.Ltmp1, $4  }
0x7e: {  	_ = 	snop  }
0x7f: {  	[sflag:s11] =	ssyncset.done $0x0  }
0x80: {  	p0 =	por $0x1, $0x1;
	[sflag:s11] =	ssyncadd.s32 $0xFFFFC000  }
0x81: {  	s0 =	sadd.s32 $0xFFFFFFFF, s17;
	s17 =	simm.s32 $0x14400;
	_ =	swait.ge [sflag:s10], $0x3400  }
.LBB2_3:
0x82: {  	[sflag:s10] =	ssyncset.done $0x0  }
0x83: {  	s9 =	rddreg [dreg:$0x6];
	[sflag:s10] =	ssyncadd.s32 $0xFFFFCC00  }
0x84: {  	[tilespmem:s3], [sflag:$0x9] =	stream.strided.gather [hbm4b:s9+s21], $0x200, s5, s21, $0x38;
	[tilespmem:$0x1F800] =	vst v63  }
0x85: {  	s16 =	rddreg [dreg:$0x7]  }
0x86: {  	[tilespmem:s30], [sflag:$0xA] =	stream.strided.gather [hbm4b:s16+s21], $0x200, s5, s21, $0x38;
	[tilespmem:$0x1F800] =	vst v63  }
0x87: {  	_ =	swait.ge [sflag:s4], $0x200  }
0x88: {  	[sflag:s4] =	ssyncset.done $0x0  }
0x89: {  	[sflag:s4] =	ssyncadd.s32 $0xFFFFFE00  }
0x8a: {  	[tilespmem:s5], [sflag:$0x1] =	stream.indirect.gather [hbm4b:s8+s21], $0x80, s3, s21, $0xb8;
	[tilespmem:$0x1F800] =	vst v63  }
0x8b: {  	_ = 	snop  }
0x8c: {  	[tilespmem:s23], [sflag:$0x2] =	stream.indirect.gather [hbm4b:s8+s21], $0x80, s21, s21, $0xb8;
	[tilespmem:$0x1F800] =	vst v63  }
0x8d: {  	s16 =	rddreg [dreg:$0x10]  }
0x8e: {  	[tilespmem:s22], [sflag:$0x3] =	stream.indirect.gather [hbm4b:s8+s21], $0x80, s16, s21, $0xb8;
	[tilespmem:$0x1F800] =	vst v63  }
0x8f: {  	s18 =	rddreg [dreg:$0x11]  }
0x90: {  	[tilespmem:s20], [sflag:$0x4] =	stream.indirect.gather [hbm4b:s8+s21], $0x80, s18, s21, $0xb8;
	[tilespmem:$0x1F800] =	vst v63  }
0x91: {  	_ =	swait.ge [sflag:s6], $0x200  }
0x92: {  	[sflag:s6] =	ssyncset.done $0x0  }
0x93: {  	[sflag:s6] =	ssyncadd.s32 $0xFFFFFE00  }
0x94: {  	[tilespmem:s19], [sflag:$0x5] =	stream.indirect.gather [hbm4b:s2+s21], $0x80, s30, s21, $0xb8;
	[tilespmem:$0x1F800] =	vst v63  }
0x95: {  	_ =	swait.ge [sflag:s7], $0x4000  }
0x96: {  	[sflag:s7] =	ssyncset.done $0x0  }
0x97: {  	s18 =	rddreg [dreg:$0x8];
	[sflag:s7] =	ssyncadd.s32 $0xFFFFC000  }
0x98: {  	[hbm4b:s18+s3] =	stream.linear.scatter [tilespmem:s5], [sflag:$0x9], $0x4000, $0x38;
	[tilespmem:$0x1F800] =	vst v63  }
0x99: {  	s19 =	rddreg [dreg:$0x12]  }
0x9a: {  	[tilespmem:s17], [sflag:$0x6] =	stream.indirect.gather [hbm4b:s2+s21], $0x80, s19, s21, $0xb8;
	[tilespmem:$0x1F800] =	vst v63  }
0x9b: {  	_ =	swait.ge [sflag:s1], $0x4000  }
0x9c: {  	[sflag:s1] =	ssyncset.done $0x0  }
0x9d: {  	s16 =	rddreg [dreg:$0x9];
	[sflag:s1] =	ssyncadd.s32 $0xFFFFC000  }
0x9e: {  	[hbm4b:s16+s3] =	stream.linear.scatter [tilespmem:s23], [sflag:$0xA], $0x4000, $0x38;
	[tilespmem:$0x1F800] =	vst v63  }
0x9f: {  	s18 =	simm.s32 $0x18400;
	s17 =	rddreg [dreg:$0x13]  }
0xa0: {  	[tilespmem:s18], [sflag:$0x7] =	stream.indirect.gather [hbm4b:s2+s21], $0x80, s17, s21, $0xb8;
	[tilespmem:$0x1F800] =	vst v63  }
0xa1: {  	_ =	swait.ge [sflag:s31], $0x4000  }
0xa2: {  	s9 =	rddreg [dreg:$0xa];
	[sflag:s31] =	ssyncset.done $0x0  }
0xa3: {  	s16 =	rddreg [dreg:$0x15];
	[sflag:s31] =	ssyncadd.s32 $0xFFFFC000  }
0xa4: {  	[hbm4b:s9+s3] =	stream.linear.scatter [tilespmem:s22], [sflag:$0xB], $0x4000, $0x38;
	[tilespmem:$0x1F800] =	vst v63  }
0xa5: {  	s19 =	simm.s32 $0x1C400;
	s17 =	rddreg [dreg:$0x14]  }
0xa6: {  	[tilespmem:s19], [sflag:$0x8] =	stream.indirect.gather [hbm4b:s2+s17], $0x80, s16, s17, $0xb8;
	[tilespmem:$0x1F800] =	vst v63  }
0xa7: {  	_ =	swait.ge [sflag:s29], $0x4000  }
0xa8: {  	[sflag:s29] =	ssyncset.done $0x0  }
0xa9: {  	s16 =	rddreg [dreg:$0xb];
	[sflag:s29] =	ssyncadd.s32 $0xFFFFC000  }
0xaa: {  	[hbm4b:s16+s3] =	stream.linear.scatter [tilespmem:s20], [sflag:$0xC], $0x4000, $0x38;
	[tilespmem:$0x1F800] =	vst v63  }
0xab: {  	_ =	swait.ge [sflag:s28], $0x4000  }
0xac: {  	[sflag:s28] =	ssyncset.done $0x0  }
0xad: {  	s19 =	simm.s32 $0x10400;
	s16 =	rddreg [dreg:$0x18];
	[sflag:s28] =	ssyncadd.s32 $0xFFFFC000  }
0xae: {  	[hbm4b:s16+s3] =	stream.linear.scatter [tilespmem:s19], [sflag:$0xD], $0x4000, $0x38;
	[tilespmem:$0x1F800] =	vst v63  }
0xaf: {  	_ =	swait.ge [sflag:s26], $0x4000  }
0xb0: {  	[sflag:s26] =	ssyncset.done $0x0  }
0xb1: {  	s17 =	simm.s32 $0x14400;
	s16 =	rddreg [dreg:$0xc];
	[sflag:s26] =	ssyncadd.s32 $0xFFFFC000  }
0xb2: {  	[hbm4b:s16+s3] =	stream.linear.scatter [tilespmem:s17], [sflag:$0xE], $0x4000, $0x38;
	[tilespmem:$0x1F800] =	vst v63  }
0xb3: {  	_ =	swait.ge [sflag:s25], $0x4000  }
0xb4: {  	[sflag:s25] =	ssyncset.done $0x0  }
0xb5: {  	s16 =	rddreg [dreg:$0xd];
	[sflag:s25] =	ssyncadd.s32 $0xFFFFC000  }
0xb6: {  	[hbm4b:s16+s3] =	stream.linear.scatter [tilespmem:s18], [sflag:$0xF], $0x4000, $0x38;
	[tilespmem:$0x1F800] =	vst v63  }
0xb7: {  	_ =	swait.ge [sflag:s24], $0x3400  }
0xb8: {  	[sflag:s24] =	ssyncset.done $0x0  }
0xb9: {  	s18 =	simm.s32 $0x1C400;
	s16 =	rddreg [dreg:$0xe];
	[sflag:s24] =	ssyncadd.s32 $0xFFFFCC00  }
0xba: {  	[hbm4b:s16+s3] =	stream.linear.scatter [tilespmem:s18], [sflag:$0x10], $0x3400, $0x38;
	[tilespmem:$0x1F800] =	vst v63  }
0xbb: {  	_ =	swait.ge [sflag:s4], $0x4000  }
0xbc: {  	s9 =	rddreg [dreg:$0x16];
	[sflag:s4] =	ssyncset.done $0x0  }
0xbd: {  	s16 =	rddreg [dreg:$0x17];
	[sflag:s4] =	ssyncadd.s32 $0xFFFFC000  }
0xbe: {  	[tilespmem:s5], [sflag:$0x1] =	stream.indirect.gather [hbm4b:s2+s9], $0x80, s16, s9, $0xb8;
	[tilespmem:$0x1F800] =	vst v63  }
0xbf: {  	_ =	swait.ge [sflag:s7], $0xC00  }
0xc0: {  	[sflag:s7] =	ssyncset.done $0x0  }
0xc1: {  	s16 =	rddreg [dreg:$0xf];
	[sflag:s7] =	ssyncadd.s32 $0xFFFFF400  }
0xc2: {  	[hbm4b:s16+s3] =	stream.linear.scatter [tilespmem:s5], [sflag:$0x9], $0xC00, $0x38;
	[tilespmem:$0x1F800] =	vst v63  }
0xc3: {  	_ =	swait.ge [sflag:s4], $0xC00  }
0xc4: {  	[sflag:s4] =	ssyncset.done $0x0  }
0xc5: {  	[sflag:s4] =	ssyncadd.s32 $0xFFFFF400  }
0xc6: {  	_ =	swait.ge [sflag:s6], $0x4000  }
0xc7: {  	[sflag:s6] =	ssyncset.done $0x0  }
0xc8: {  	[sflag:s6] =	ssyncadd.s32 $0xFFFFC000  }
0xc9: {  	_ =	swait.ge [sflag:s15], $0x4000  }
0xca: {  	[sflag:s15] =	ssyncset.done $0x0  }
0xcb: {  	[sflag:s15] =	ssyncadd.s32 $0xFFFFC000  }
0xcc: {  	_ =	swait.ge [sflag:s14], $0x4000  }
0xcd: {  	[sflag:s14] =	ssyncset.done $0x0  }
0xce: {  	[sflag:s14] =	ssyncadd.s32 $0xFFFFC000  }
0xcf: {  	_ =	swait.ge [sflag:s13], $0x4000  }
0xd0: {  	[sflag:s13] =	ssyncset.done $0x0  }
0xd1: {  	[sflag:s13] =	ssyncadd.s32 $0xFFFFC000  }
0xd2: {  	_ =	swait.ge [sflag:s12], $0x4000  }
0xd3: {  	p1 =	sne.s32 s0, $0x1;
	[sflag:s12] =	ssyncset.done $0x0  }
.Ltmp2:
0xd4: {  	[sflag:s12] =	ssyncadd.s32 $0xFFFFC000;
	(pc) =	sbr.rel @p1 .LBB2_3-.Ltmp2, $4  }
0xd5: {  	_ =	swait.ge [sflag:s11], $0x4000  }
0xd6: {  	[sflag:s11] =	ssyncset.done $0x0  }
0xd7: {  	[sflag:s11] =	ssyncadd.s32 $0xFFFFC000  }
0xd8: {  	s0 =	sadd.s32 $0xFFFFFFFF, s0;
	_ =	swait.ge [sflag:s10], $0x3400  }
0xd9: {  	s16 =	simm.s32 $0x14400;
	s17 =	rddreg [dreg:$0x5]  }
.LBB2_5:
0xda: {  	[sflag:s10] =	ssyncset.done @p0 $0x0  }
0xdb: {  	s0 =	rddreg [dreg:$0x6];
	[sflag:s10] =	ssyncadd.s32 @p0 $0xFFFFCC00  }
0xdc: {  	[tilespmem:s3], [sflag:$0x9] =	stream.strided.gather [hbm4b:s0+s21], $0x200, s5, s21, $0x38;
	[tilespmem:$0x1F800] =	vst v63  }
0xdd: {  	s9 =	rddreg [dreg:$0x7]  }
0xde: {  	[tilespmem:s30], [sflag:$0xA] =	stream.strided.gather [hbm4b:s9+s21], $0x200, s5, s21, $0x38;
	[tilespmem:$0x1F800] =	vst v63  }
0xdf: {  	_ =	swait.ge [sflag:s4], $0x200  }
0xe0: {  	[sflag:s4] =	ssyncset.done $0x0  }
0xe1: {  	[sflag:s4] =	ssyncadd.s32 $0xFFFFFE00  }
0xe2: {  	[tilespmem:s5], [sflag:$0x1] =	stream.indirect.gather [hbm4b:s8+s21], $0x80, s3, s21, $0xb8;
	[tilespmem:$0x1F800] =	vst v63  }
0xe3: {  	_ = 	snop  }
0xe4: {  	[tilespmem:s23], [sflag:$0x2] =	stream.indirect.gather [hbm4b:s8+s21], $0x80, s21, s21, $0xb8;
	[tilespmem:$0x1F800] =	vst v63  }
0xe5: {  	s0 =	rddreg [dreg:$0x10]  }
0xe6: {  	[tilespmem:s22], [sflag:$0x3] =	stream.indirect.gather [hbm4b:s8+s21], $0x80, s0, s21, $0xb8;
	[tilespmem:$0x1F800] =	vst v63  }
0xe7: {  	s9 =	rddreg [dreg:$0x11]  }
0xe8: {  	[tilespmem:s20], [sflag:$0x4] =	stream.indirect.gather [hbm4b:s8+s21], $0x80, s9, s21, $0xb8;
	[tilespmem:$0x1F800] =	vst v63  }
0xe9: {  	_ =	swait.ge [sflag:s6], $0x200  }
0xea: {  	[sflag:s6] =	ssyncset.done $0x0  }
0xeb: {  	[sflag:s6] =	ssyncadd.s32 $0xFFFFFE00  }
0xec: {  	[tilespmem:s19], [sflag:$0x5] =	stream.indirect.gather [hbm4b:s2+s21], $0x80, s30, s21, $0xb8;
	[tilespmem:$0x1F800] =	vst v63  }
0xed: {  	_ =	swait.ge [sflag:s7], $0x4000  }
0xee: {  	[sflag:s7] =	ssyncset.done $0x0  }
0xef: {  	s8 =	rddreg [dreg:$0x8];
	[sflag:s7] =	ssyncadd.s32 $0xFFFFC000  }
0xf0: {  	[hbm4b:s8+s3] =	stream.linear.scatter [tilespmem:s5], [sflag:$0x9], $0x4000, $0x38;
	[tilespmem:$0x1F800] =	vst v63  }
0xf1: {  	s9 =	rddreg [dreg:$0x12]  }
0xf2: {  	[tilespmem:s16], [sflag:$0x6] =	stream.indirect.gather [hbm4b:s2+s21], $0x80, s9, s21, $0xb8;
	[tilespmem:$0x1F800] =	vst v63  }
0xf3: {  	_ =	swait.ge [sflag:s1], $0x4000  }
0xf4: {  	[sflag:s1] =	ssyncset.done $0x0  }
0xf5: {  	s30 =	rddreg [dreg:$0x9];
	[sflag:s1] =	ssyncadd.s32 $0xFFFFC000  }
0xf6: {  	[hbm4b:s30+s3] =	stream.linear.scatter [tilespmem:s23], [sflag:$0xA], $0x4000, $0x38;
	[tilespmem:$0x1F800] =	vst v63  }
0xf7: {  	s9 =	simm.s32 $0x18400;
	s8 =	rddreg [dreg:$0x13]  }
0xf8: {  	[tilespmem:s9], [sflag:$0x7] =	stream.indirect.gather [hbm4b:s2+s21], $0x80, s8, s21, $0xb8;
	[tilespmem:$0x1F800] =	vst v63  }
0xf9: {  	_ =	swait.ge [sflag:s31], $0x4000  }
0xfa: {  	s23 =	rddreg [dreg:$0xa];
	[sflag:s31] =	ssyncset.done $0x0  }
0xfb: {  	s30 =	rddreg [dreg:$0x15];
	[sflag:s31] =	ssyncadd.s32 $0xFFFFC000  }
0xfc: {  	[hbm4b:s23+s3] =	stream.linear.scatter [tilespmem:s22], [sflag:$0xB], $0x4000, $0x38;
	[tilespmem:$0x1F800] =	vst v63  }
0xfd: {  	s31 =	rddreg [dreg:$0x14]  }
0xfe: {  	[tilespmem:s18], [sflag:$0x8] =	stream.indirect.gather [hbm4b:s2+s31], $0x80, s30, s31, $0xb8;
	[tilespmem:$0x1F800] =	vst v63  }
0xff: {  	_ =	swait.ge [sflag:s29], $0x4000  }
0x100: {  	[sflag:s29] =	ssyncset.done $0x0  }
0x101: {  	s8 =	rddreg [dreg:$0xb];
	[sflag:s29] =	ssyncadd.s32 $0xFFFFC000  }
0x102: {  	[hbm4b:s8+s3] =	stream.linear.scatter [tilespmem:s20], [sflag:$0xC], $0x4000, $0x38;
	[tilespmem:$0x1F800] =	vst v63  }
0x103: {  	_ =	swait.ge [sflag:s28], $0x4000  }
0x104: {  	[sflag:s28] =	ssyncset.done $0x0  }
0x105: {  	s21 =	rddreg [dreg:$0x18];
	[sflag:s28] =	ssyncadd.s32 $0xFFFFC000  }
0x106: {  	[hbm4b:s21+s3] =	stream.linear.scatter [tilespmem:s19], [sflag:$0xD], $0x4000, $0x38;
	[tilespmem:$0x1F800] =	vst v63  }
0x107: {  	_ =	swait.ge [sflag:s26], $0x4000  }
0x108: {  	[sflag:s26] =	ssyncset.done $0x0  }
0x109: {  	s22 =	rddreg [dreg:$0xc];
	[sflag:s26] =	ssyncadd.s32 $0xFFFFC000  }
0x10a: {  	[hbm4b:s22+s3] =	stream.linear.scatter [tilespmem:s16], [sflag:$0xE], $0x4000, $0x38;
	[tilespmem:$0x1F800] =	vst v63  }
0x10b: {  	_ =	swait.ge [sflag:s25], $0x4000  }
0x10c: {  	[sflag:s25] =	ssyncset.done $0x0  }
0x10d: {  	s23 =	rddreg [dreg:$0xd];
	[sflag:s25] =	ssyncadd.s32 $0xFFFFC000  }
0x10e: {  	[hbm4b:s23+s3] =	stream.linear.scatter [tilespmem:s9], [sflag:$0xF], $0x4000, $0x38;
	[tilespmem:$0x1F800] =	vst v63  }
0x10f: {  	_ =	swait.ge [sflag:s24], $0x3400  }
0x110: {  	[sflag:s24] =	ssyncset.done $0x0  }
0x111: {  	s26 =	rddreg [dreg:$0xe];
	[sflag:s24] =	ssyncadd.s32 $0xFFFFCC00  }
0x112: {  	[hbm4b:s26+s3] =	stream.linear.scatter [tilespmem:s18], [sflag:$0x10], $0x3400, $0x38;
	[tilespmem:$0x1F800] =	vst v63  }
0x113: {  	_ =	swait.ge [sflag:s4], $0x4000  }
0x114: {  	s28 =	rddreg [dreg:$0x16];
	[sflag:s4] =	ssyncset.done $0x0  }
0x115: {  	s29 =	rddreg [dreg:$0x17];
	[sflag:s4] =	ssyncadd.s32 $0xFFFFC000  }
0x116: {  	[tilespmem:s5], [sflag:$0x1] =	stream.indirect.gather [hbm4b:s2+s28], $0x80, s29, s28, $0xb8;
	[tilespmem:$0x1F800] =	vst v63  }
0x117: {  	_ =	swait.ge [sflag:s7], $0xC00  }
0x118: {  	[sflag:s7] =	ssyncset.done $0x0  }
0x119: {  	s30 =	rddreg [dreg:$0xf];
	[sflag:s7] =	ssyncadd.s32 $0xFFFFF400  }
0x11a: {  	[hbm4b:s30+s3] =	stream.linear.scatter [tilespmem:s5], [sflag:$0x9], $0xC00, $0x38;
	[tilespmem:$0x1F800] =	vst v63  }
0x11b: {  	_ =	swait.ge [sflag:s4], $0xC00  }
0x11c: {  	[sflag:s4] =	ssyncset.done $0x0  }
0x11d: {  	[sflag:s4] =	ssyncadd.s32 $0xFFFFF400  }
0x11e: {  	_ =	swait.ge [sflag:s6], $0x4000  }
0x11f: {  	[sflag:s6] =	ssyncset.done $0x0  }
0x120: {  	[sflag:s6] =	ssyncadd.s32 $0xFFFFC000  }
0x121: {  	_ =	swait.ge [sflag:s15], $0x4000  }
0x122: {  	[sflag:s15] =	ssyncset.done $0x0  }
0x123: {  	[sflag:s15] =	ssyncadd.s32 $0xFFFFC000  }
0x124: {  	_ =	swait.ge [sflag:s14], $0x4000  }
0x125: {  	[sflag:s14] =	ssyncset.done $0x0  }
0x126: {  	[sflag:s14] =	ssyncadd.s32 $0xFFFFC000  }
0x127: {  	_ =	swait.ge [sflag:s13], $0x4000  }
0x128: {  	[sflag:s13] =	ssyncset.done $0x0  }
0x129: {  	[sflag:s13] =	ssyncadd.s32 $0xFFFFC000  }
0x12a: {  	_ =	swait.ge [sflag:s12], $0x4000  }
0x12b: {  	[sflag:s12] =	ssyncset.done $0x0  }
0x12c: {  	[sflag:s12] =	ssyncadd.s32 $0xFFFFC000  }
0x12d: {  	_ =	swait.ge [sflag:s11], $0x4000  }
0x12e: {  	[sflag:s11] =	ssyncset.done $0x0  }
0x12f: {  	[sflag:s11] =	ssyncadd.s32 $0xFFFFC000  }
0x130: {  	_ =	swait.ge [sflag:s10], $0x3400  }
0x131: {  	[sflag:s10] =	ssyncset.done $0x0  }
0x132: {  	[sflag:s10] =	ssyncadd.s32 $0xFFFFCC00  }
0x133: {  	_ =	sfence.sel $0x180000  }
0x134: {  	s31 =	stileid.u32;
	[bflag:$0x0] =	sbarrier.arrive $0xFFFF  }
0x135: {  	p0 =	sne.s32 s31, $0x0;
	_ =	strace $0x90000047  }
0x136: {  	s0 =	sadd.s32 @!p0 $0x100000, s17;
	[bflag:$0x2] =	sbarrier.arrive $0xFFFF  }
0x137: {  	[sflag:s0] =	ssyncadd.tile.s32 @!p0 $0x1;
	_ =	shalt  }
.LBB2_2:
.Ltmp3:
0x138: {  	(pc) =	sbr.rel .LBB2_5-.Ltmp3, $2  }
0x139: {  	_ =	sdelay $0x2  }
0x13a: {  	s16 =	simm.s32 $0x14400;
	s17 =	rddreg [dreg:$0x5]  }
.Lfunc_end2:
_tile_overlayer_lowered:
.L_overlay_start_2:
0x13b: {  	(tag) =	ssettag $0x2  }
0x13c: {  	s0 =	rddreg [dreg:$0x0];
	s2 =	stileid.u32  }
0x13d: {  	s1 =	rddreg [dreg:$0x1];
	p0 =	sne.s32 s2, $0x0  }
0x13e: {  	s3 =	rddreg [dreg:$0x2];
	[bflag:$0x3] =	sbarrier.arrive $0xFFFF;
	s2 =	simm.s32 @!p0 $0x1C11  }
0x13f: {  	[timem:s3], [sflag:s2] =	dma.local @!p0 [hbm:s0], s1  }
0x140: {  	s0 =	simm.s32 @!p0 $0x11  }
0x141: {  	_ =	swait.ge @!p0 [sflag:s0], s1  }
0x142: {  	s1 =	ssub.s32 @!p0 $0x0, s1;
	[sflag:s0] =	ssyncset.done @!p0 $0x0  }
0x143: {  	[sflag:s0] =	ssyncadd.s32 @!p0 s1  }
0x144: {  	[bflag:$0x3] =	sbarrier.arrive $0xFFFF  }
0x145: {  	_ =	shalt  }

</sc_bundles>
